<compile_context>
chip_gen: v7x
topology: tpu7x:2x2x1
jax: 0.10.2.dev20260603
libtpu: 0.0.44.dev20260713+nightly
codegen_flags: <defaults>
</compile_context>

<pallas_src>
import functools

import jax
import jax.numpy as jnp
from jax import lax
from jax.experimental import pallas as pl
from jax.experimental.pallas import tpu as pltpu
from jax.experimental.pallas import tpu_sc as plsc

N_NODES = 10000
N_EDGES = 160000
D_IN = 256
D_OUT = 256
D_HALF = D_OUT // 2

NC = 2
NS = 16
CHUNK = 64
N_CHUNKS = 160
NBUF = 4
EDGES_PER_SUB = N_CHUNKS * CHUNK
E_PAD = NS * EDGES_PER_SUB
TRASH_ROW = N_NODES
ACC_ROWS = N_NODES + 8
ROWS_PER_SUB = 624
TAIL_ROWS = N_NODES - NS * ROWS_PER_SUB


def _mm_body(x_ref, w_ref, b_ref, h0_ref, h1_ref):
    h = jnp.dot(x_ref[...], w_ref[...], preferred_element_type=jnp.float32)
    h = h + b_ref[...]
    h0_ref[...] = h[:, :D_HALF]
    h1_ref[...] = h[:, D_HALF:]


def _linear(x, W, b):
    grid = 5
    rows = N_NODES // grid
    return pl.pallas_call(
        _mm_body,
        grid=(grid,),
        in_specs=[
            pl.BlockSpec((rows, D_IN), lambda i: (i, 0)),
            pl.BlockSpec((D_IN, D_OUT), lambda i: (0, 0)),
            pl.BlockSpec((1, D_OUT), lambda i: (0, 0)),
        ],
        out_specs=[
            pl.BlockSpec((rows, D_HALF), lambda i: (i, 0)),
            pl.BlockSpec((rows, D_HALF), lambda i: (i, 0)),
        ],
        out_shape=[
            jax.ShapeDtypeStruct((N_NODES, D_HALF), jnp.float32),
            jax.ShapeDtypeStruct((N_NODES, D_HALF), jnp.float32),
        ],
    )(x, W, b.reshape(1, D_OUT))


def _sc_body(h0, h1, src3, dstf, out, acc,
             src_all, rows, dbufs, gsems, dsems):
    cid = lax.axis_index("c")
    sid = lax.axis_index("s")

    def run(h_half, c0):
        r0 = sid * ROWS_PER_SUB
        t0 = NS * ROWS_PER_SUB
        e0 = sid * EDGES_PER_SUB
        pltpu.sync_copy(h_half.at[pl.ds(r0, ROWS_PER_SUB)],
                        acc.at[pl.ds(r0, ROWS_PER_SUB)])

        @pl.when(sid == NS - 1)
        def _():
            pltpu.sync_copy(h_half.at[pl.ds(t0, TAIL_ROWS)],
                            acc.at[pl.ds(t0, TAIL_ROWS)])

        pltpu.sync_copy(src3.at[sid], src_all)
        plsc.subcore_barrier()

        def idx_ref(row, col):
            return src_all.at[row, pl.ds(col * CHUNK, CHUNK)]

        def start_gather(row, col, k):
            pltpu.async_copy(h_half.at[idx_ref(row, col)], rows[k], gsems[k])

        def wait_gather(row, col, k):
            pltpu.make_async_copy(
                h_half.at[idx_ref(row, col)], rows[k], gsems[k]).wait()

        def start_dst(j, k):
            pltpu.async_copy(
                dstf.at[pl.ds(e0 + j * CHUNK, CHUNK)], dbufs[k], dsems[k])

        def wait_dst(j, k):
            pltpu.make_async_copy(
                dstf.at[pl.ds(e0 + j * CHUNK, CHUNK)], dbufs[k], dsems[k]).wait()

        for k in range(NBUF):
            start_gather(k // 2, k % 2, k)
            start_dst(k, k)

        def group(i, carry):
            j0 = i * NBUF
            for k in range(NBUF):
                j = j0 + k
                row = i * 2 + k // 2
                col = k % 2
                wait_gather(row, col, k)
                wait_dst(j, k)
                pltpu.sync_copy(rows[k], acc.at[dbufs[k]], add=True)

                @pl.when(j + NBUF < N_CHUNKS)
                def _():
                    start_gather(row + 2, col, k)
                    start_dst(j + NBUF, k)

            return carry

        lax.fori_loop(0, N_CHUNKS // NBUF, group, 0)
        plsc.subcore_barrier()
        pltpu.sync_copy(acc.at[pl.ds(r0, ROWS_PER_SUB)],
                        out.at[pl.ds(r0, ROWS_PER_SUB), pl.ds(c0, D_HALF)])

        @pl.when(sid == NS - 1)
        def _():
            pltpu.sync_copy(acc.at[pl.ds(t0, TAIL_ROWS)],
                            out.at[pl.ds(t0, TAIL_ROWS), pl.ds(c0, D_HALF)])

    @pl.when(cid == 0)
    def _():
        run(h0, 0)

    @pl.when(cid == 1)
    def _():
        run(h1, D_HALF)


_scatter = functools.partial(
    pl.kernel,
    out_type=jax.ShapeDtypeStruct((N_NODES, D_OUT), jnp.float32),
    mesh=plsc.VectorSubcoreMesh(
        core_axis_name="c", subcore_axis_name="s", num_cores=NC, num_subcores=NS
    ),
    scratch_types=[
        pltpu.VMEM_SHARED((ACC_ROWS, D_HALF), jnp.float32),
        pltpu.VMEM((N_CHUNKS // 2, 2 * CHUNK), jnp.int32),
        [pltpu.VMEM((CHUNK, D_HALF), jnp.float32)] * NBUF,
        [pltpu.VMEM((CHUNK,), jnp.int32)] * NBUF,
        [pltpu.SemaphoreType.DMA] * NBUF,
        [pltpu.SemaphoreType.DMA] * NBUF,
    ],
)(_sc_body)


def kernel(x, edge_index, W, b):
    src = edge_index[0].astype(jnp.int32)
    dst = edge_index[1].astype(jnp.int32)
    n_pad = E_PAD - N_EDGES
    src = jnp.concatenate([src, jnp.zeros((n_pad,), jnp.int32)])
    dst = jnp.concatenate([dst, jnp.full((n_pad,), TRASH_ROW, jnp.int32)])
    src = src.reshape(NS, N_CHUNKS // 2, 2 * CHUNK)
    h0, h1 = _linear(x, W, b)
    return _scatter(h0, h1, src, dst)

# --- scband reference (transcript-rebuilt; emitter-appended) ---
"""Pipeline reference for scband-net-3109556322733 (READ-ONLY COPY).

The authoritative reference and input builder live on the scoring server;
editing this copy changes nothing except your own understanding.
"""

import jax, jax.numpy as jnp
import numpy as np

N_NODES = 10000
N_EDGES = 160000
D_IN = 256
D_OUT = 256

def setup_inputs(seed: int = 0) -> dict:
    key = jax.random.key(seed)
    k1, k2, k3, k4 = jax.random.split(key, 4)
    x = jax.random.normal(k1, (N_NODES, D_IN), dtype=jnp.float32)
    edge_index = jax.random.randint(k2, (2, N_EDGES), 0, N_NODES, dtype=jnp.int64)
    # Linear layer params (torch.nn.Linear(in_channels, out_channels))
    bound = 1.0 / np.sqrt(D_IN)
    W = jax.random.uniform(k3, (D_IN, D_OUT), dtype=jnp.float32, minval=-bound, maxval=bound)
    b = jax.random.uniform(k4, (D_OUT,), dtype=jnp.float32, minval=-bound, maxval=bound)
    return {"x": x, "edge_index": edge_index, "W": W, "b": b}

def reference(x, edge_index, W, b):
    # GCNConv with aggr='add': add self loops, linear transform, then
    # propagate (message = x_j, update = identity -> scatter-add by dst).
    N = x.shape[0]
    loop = jnp.arange(N, dtype=edge_index.dtype)
    src = jnp.concatenate([edge_index[0], loop])
    dst = jnp.concatenate([edge_index[1], loop])
    h = x @ W + b
    msgs = jnp.take(h, src, axis=0)
    out = jax.ops.segment_sum(msgs, dst, num_segments=N)
    return out

if __name__ == "__main__":
    import jax
    _d = setup_inputs()
    print(jax.jit(kernel)(*tuple(_d.values())))

</pallas_src>

<mosaic_0001>
#map = affine_map<(d0, d1) -> (0, 0)>
#map1 = affine_map<(d0, d1) -> (0, 0, 0)>
#map2 = affine_map<(d0, d1) -> (0)>
module attributes {stable_mosaic.version = 14 : i64} {
  func.func @_sc_body(%arg0: i32, %arg1: i32, %arg2: memref<10000x128xf32, #tpu.memory_space<hbm>>, %arg3: memref<10000x128xf32, #tpu.memory_space<hbm>>, %arg4: memref<16x80x128xi32, #tpu.memory_space<hbm>>, %arg5: memref<163840xi32, #tpu.memory_space<hbm>>, %arg6: memref<10000x256xf32, #tpu.memory_space<hbm>>, %arg7: memref<10008x128xf32, #tpu.memory_space<vmem_shared>>, %arg8: memref<80x128xi32, #tpu.memory_space<vmem>>, %arg9: memref<64x128xf32, #tpu.memory_space<vmem>>, %arg10: memref<64x128xf32, #tpu.memory_space<vmem>>, %arg11: memref<64x128xf32, #tpu.memory_space<vmem>>, %arg12: memref<64x128xf32, #tpu.memory_space<vmem>>, %arg13: memref<64xi32, #tpu.memory_space<vmem>>, %arg14: memref<64xi32, #tpu.memory_space<vmem>>, %arg15: memref<64xi32, #tpu.memory_space<vmem>>, %arg16: memref<64xi32, #tpu.memory_space<vmem>>, %arg17: memref<!tpu.dma_semaphore, #tpu.memory_space<semaphore_mem>>, %arg18: memref<!tpu.dma_semaphore, #tpu.memory_space<semaphore_mem>>, %arg19: memref<!tpu.dma_semaphore, #tpu.memory_space<semaphore_mem>>, %arg20: memref<!tpu.dma_semaphore, #tpu.memory_space<semaphore_mem>>, %arg21: memref<!tpu.dma_semaphore, #tpu.memory_space<semaphore_mem>>, %arg22: memref<!tpu.dma_semaphore, #tpu.memory_space<semaphore_mem>>, %arg23: memref<!tpu.dma_semaphore, #tpu.memory_space<semaphore_mem>>, %arg24: memref<!tpu.dma_semaphore, #tpu.memory_space<semaphore_mem>>) attributes {dimension_semantics = [#tpu.dimension_semantics<core_parallel>, #tpu.dimension_semantics<subcore_parallel>], iteration_bounds = array<i64: 2, 16>, scalar_prefetch = 0 : i64, scratch_operands = 18 : i64, tpu.core_type = #tpu.core_type<sc_vector_subcore>, window_params = [{transform_indices = #map}, {transform_indices = #map}, {transform_indices = #map1}, {transform_indices = #map2}, {transform_indices = #map}]} {
    %eq3A = arith.constant 0 : i32
    %eq3A_0 = arith.cmpi eq, %arg0, %eq3A : i32
    %convert_element_type3A = arith.extui %eq3A_0 : i1 to i32
    %cond3A = arith.constant 0 : i32
    %cond3A_1 = arith.cmpi ne, %convert_element_type3A, %cond3A : i32
    scf.if %cond3A_1 {
      %mul3A = arith.constant 624 : i32
      %mul3A_7 = arith.muli %arg1, %mul3A : i32
      %mul3A_8 = arith.constant 10240 : i32
      %mul3A_9 = arith.muli %arg1, %mul3A_8 : i32
      "tpu.region"() ({
        %run_scoped3A = tpu.sem_alloc : memref<!tpu.dma_semaphore, #tpu.memory_space<semaphore_mem>>
        %dma_start3A_68 = arith.constant 0 : i32
        %dma_start3A_69 = tpu.memref_slice %arg7[%mul3A_7, %dma_start3A_68] : memref<10008x128xf32, #tpu.memory_space<vmem_shared>> -> memref<624x128xf32, #tpu.memory_space<vmem_shared>>
        %dma_start3A_70 = arith.constant 0 : i32
        %dma_start3A_71 = tpu.memref_slice %arg2[%mul3A_7, %dma_start3A_70] : memref<10000x128xf32, #tpu.memory_space<hbm>> -> memref<624x128xf32, #tpu.memory_space<hbm>>
        tpu.enqueue_dma source(%dma_start3A_71 : memref<624x128xf32, #tpu.memory_space<hbm>>) target(%dma_start3A_69 : memref<624x128xf32, #tpu.memory_space<vmem_shared>>) target_semaphore(%run_scoped3A : memref<!tpu.dma_semaphore, #tpu.memory_space<semaphore_mem>>)
        %dma_wait3A = arith.constant 0 : i32
        %dma_wait3A_72 = tpu.memref_slice %arg7[%mul3A_7, %dma_wait3A] : memref<10008x128xf32, #tpu.memory_space<vmem_shared>> -> memref<624x128xf32, #tpu.memory_space<vmem_shared>>
        %dma_wait3A_73 = arith.constant 0 : i32
        %dma_wait3A_74 = tpu.memref_slice %arg2[%mul3A_7, %dma_wait3A_73] : memref<10000x128xf32, #tpu.memory_space<hbm>> -> memref<624x128xf32, #tpu.memory_space<hbm>>
        tpu.wait_dma2 semaphore(%run_scoped3A : memref<!tpu.dma_semaphore, #tpu.memory_space<semaphore_mem>>) src(%dma_wait3A_74 : memref<624x128xf32, #tpu.memory_space<hbm>>) dst(%dma_wait3A_72 : memref<624x128xf32, #tpu.memory_space<vmem_shared>>)
        tpu.yield
      }) : () -> ()
      %eq3A_10 = arith.constant 15 : i32
      %eq3A_11 = arith.cmpi eq, %arg1, %eq3A_10 : i32
      %convert_element_type3A_12 = arith.extui %eq3A_11 : i1 to i32
      %cond3A_13 = arith.constant 0 : i32
      %cond3A_14 = arith.cmpi ne, %convert_element_type3A_12, %cond3A_13 : i32
      scf.if %cond3A_14 {
        "tpu.region"() ({
          %run_scoped3A = tpu.sem_alloc : memref<!tpu.dma_semaphore, #tpu.memory_space<semaphore_mem>>
          %dma_start3A_68 = arith.constant 9984 : i32
          %dma_start3A_69 = arith.constant 0 : i32
          %dma_start3A_70 = tpu.memref_slice %arg7[%dma_start3A_68, %dma_start3A_69] : memref<10008x128xf32, #tpu.memory_space<vmem_shared>> -> memref<16x128xf32, #tpu.memory_space<vmem_shared>>
          %dma_start3A_71 = arith.constant 9984 : i32
          %dma_start3A_72 = arith.constant 0 : i32
          %dma_start3A_73 = tpu.memref_slice %arg2[%dma_start3A_71, %dma_start3A_72] : memref<10000x128xf32, #tpu.memory_space<hbm>> -> memref<16x128xf32, #tpu.memory_space<hbm>>
          tpu.enqueue_dma source(%dma_start3A_73 : memref<16x128xf32, #tpu.memory_space<hbm>>) target(%dma_start3A_70 : memref<16x128xf32, #tpu.memory_space<vmem_shared>>) target_semaphore(%run_scoped3A : memref<!tpu.dma_semaphore, #tpu.memory_space<semaphore_mem>>)
          %dma_wait3A = arith.constant 9984 : i32
          %dma_wait3A_74 = arith.constant 0 : i32
          %dma_wait3A_75 = tpu.memref_slice %arg7[%dma_wait3A, %dma_wait3A_74] : memref<10008x128xf32, #tpu.memory_space<vmem_shared>> -> memref<16x128xf32, #tpu.memory_space<vmem_shared>>
          %dma_wait3A_76 = arith.constant 9984 : i32
          %dma_wait3A_77 = arith.constant 0 : i32
          %dma_wait3A_78 = tpu.memref_slice %arg2[%dma_wait3A_76, %dma_wait3A_77] : memref<10000x128xf32, #tpu.memory_space<hbm>> -> memref<16x128xf32, #tpu.memory_space<hbm>>
          tpu.wait_dma2 semaphore(%run_scoped3A : memref<!tpu.dma_semaphore, #tpu.memory_space<semaphore_mem>>) src(%dma_wait3A_78 : memref<16x128xf32, #tpu.memory_space<hbm>>) dst(%dma_wait3A_75 : memref<16x128xf32, #tpu.memory_space<vmem_shared>>)
          tpu.yield
        }) : () -> ()
      } else {
      }
      "tpu.region"() ({
        %run_scoped3A = tpu.sem_alloc : memref<!tpu.dma_semaphore, #tpu.memory_space<semaphore_mem>>
        %dma_start3A_68 = arith.constant 0 : i32
        %dma_start3A_69 = arith.constant 0 : i32
        %dma_start3A_70 = tpu.memref_slice %arg4[%arg1, %dma_start3A_68, %dma_start3A_69] : memref<16x80x128xi32, #tpu.memory_space<hbm>> -> memref<1x80x128xi32, #tpu.memory_space<hbm>>
        %dma_start3A_71 = tpu.memref_squeeze %dma_start3A_70 : memref<1x80x128xi32, #tpu.memory_space<hbm>> -> memref<80x128xi32, #tpu.memory_space<hbm>>
        %dma_start3A_72 = arith.constant 0 : i32
        %dma_start3A_73 = arith.constant 0 : i32
        %dma_start3A_74 = tpu.memref_slice %arg4[%arg1, %dma_start3A_72, %dma_start3A_73] : memref<16x80x128xi32, #tpu.memory_space<hbm>> -> memref<1x80x128xi32, #tpu.memory_space<hbm>>
        %dma_start3A_75 = tpu.memref_squeeze %dma_start3A_74 : memref<1x80x128xi32, #tpu.memory_space<hbm>> -> memref<80x128xi32, #tpu.memory_space<hbm>>
        tpu.enqueue_dma source(%dma_start3A_75 : memref<80x128xi32, #tpu.memory_space<hbm>>) target(%arg8 : memref<80x128xi32, #tpu.memory_space<vmem>>) target_semaphore(%run_scoped3A : memref<!tpu.dma_semaphore, #tpu.memory_space<semaphore_mem>>)
        %dma_wait3A = arith.constant 0 : i32
        %dma_wait3A_76 = arith.constant 0 : i32
        %dma_wait3A_77 = tpu.memref_slice %arg4[%arg1, %dma_wait3A, %dma_wait3A_76] : memref<16x80x128xi32, #tpu.memory_space<hbm>> -> memref<1x80x128xi32, #tpu.memory_space<hbm>>
        %dma_wait3A_78 = tpu.memref_squeeze %dma_wait3A_77 : memref<1x80x128xi32, #tpu.memory_space<hbm>> -> memref<80x128xi32, #tpu.memory_space<hbm>>
        %dma_wait3A_79 = arith.constant 0 : i32
        %dma_wait3A_80 = arith.constant 0 : i32
        %dma_wait3A_81 = tpu.memref_slice %arg4[%arg1, %dma_wait3A_79, %dma_wait3A_80] : memref<16x80x128xi32, #tpu.memory_space<hbm>> -> memref<1x80x128xi32, #tpu.memory_space<hbm>>
        %dma_wait3A_82 = tpu.memref_squeeze %dma_wait3A_81 : memref<1x80x128xi32, #tpu.memory_space<hbm>> -> memref<80x128xi32, #tpu.memory_space<hbm>>
        tpu.wait_dma2 semaphore(%run_scoped3A : memref<!tpu.dma_semaphore, #tpu.memory_space<semaphore_mem>>) src(%dma_wait3A_82 : memref<80x128xi32, #tpu.memory_space<hbm>>) dst(%arg8 : memref<80x128xi32, #tpu.memory_space<vmem>>)
        tpu.yield
      }) : () -> ()
      %barrier3A = arith.constant 0 : index
      tpu.barrier barrier_id(%barrier3A)
      %dma_start3A = arith.constant 0 : i32
      %dma_start3A_15 = arith.constant 0 : i32
      %dma_start3A_16 = tpu.memref_slice %arg8[%dma_start3A, %dma_start3A_15] : memref<80x128xi32, #tpu.memory_space<vmem>> -> memref<1x64xi32, #tpu.memory_space<vmem>>
      %dma_start3A_17 = tpu.memref_squeeze %dma_start3A_16 : memref<1x64xi32, #tpu.memory_space<vmem>> -> memref<64xi32, #tpu.memory_space<vmem>>
      %dma_start3A_18 = arith.constant 0 : i32
      %dma_start3A_19 = arith.constant 0 : i32
      %dma_start3A_20 = tpu.memref_slice %arg2[%dma_start3A_18, %dma_start3A_19] : memref<10000x128xf32, #tpu.memory_space<hbm>> -> memref<10000x128xf32, #tpu.memory_space<hbm>>
      tpu.enqueue_indirect_dma source(%dma_start3A_20 : memref<10000x128xf32, #tpu.memory_space<hbm>>) target(%arg9 : memref<64x128xf32, #tpu.memory_space<vmem>>) offsets(%dma_start3A_17 : memref<64xi32, #tpu.memory_space<vmem>>) semaphore(%arg17 : memref<!tpu.dma_semaphore, #tpu.memory_space<semaphore_mem>>)
      %add3A = arith.constant 0 : i32
      %add3A_21 = arith.addi %mul3A_9, %add3A : i32
      %dma_start3A_22 = tpu.memref_slice %arg5[%add3A_21] : memref<163840xi32, #tpu.memory_space<hbm>> -> memref<64xi32, #tpu.memory_space<hbm>>
      %dma_start3A_23 = tpu.memref_slice %arg5[%add3A_21] : memref<163840xi32, #tpu.memory_space<hbm>> -> memref<64xi32, #tpu.memory_space<hbm>>
      tpu.enqueue_dma source(%dma_start3A_23 : memref<64xi32, #tpu.memory_space<hbm>>) target(%arg13 : memref<64xi32, #tpu.memory_space<vmem>>) target_semaphore(%arg21 : memref<!tpu.dma_semaphore, #tpu.memory_space<semaphore_mem>>)
      %dma_start3A_24 = arith.constant 0 : i32
      %dma_start3A_25 = arith.constant 64 : i32
      %dma_start3A_26 = tpu.memref_slice %arg8[%dma_start3A_24, %dma_start3A_25] : memref<80x128xi32, #tpu.memory_space<vmem>> -> memref<1x64xi32, #tpu.memory_space<vmem>>
      %dma_start3A_27 = tpu.memref_squeeze %dma_start3A_26 : memref<1x64xi32, #tpu.memory_space<vmem>> -> memref<64xi32, #tpu.memory_space<vmem>>
      %dma_start3A_28 = arith.constant 0 : i32
      %dma_start3A_29 = arith.constant 0 : i32
      %dma_start3A_30 = tpu.memref_slice %arg2[%dma_start3A_28, %dma_start3A_29] : memref<10000x128xf32, #tpu.memory_space<hbm>> -> memref<10000x128xf32, #tpu.memory_space<hbm>>
      tpu.enqueue_indirect_dma source(%dma_start3A_30 : memref<10000x128xf32, #tpu.memory_space<hbm>>) target(%arg10 : memref<64x128xf32, #tpu.memory_space<vmem>>) offsets(%dma_start3A_27 : memref<64xi32, #tpu.memory_space<vmem>>) semaphore(%arg18 : memref<!tpu.dma_semaphore, #tpu.memory_space<semaphore_mem>>)
      %add3A_31 = arith.constant 64 : i32
      %add3A_32 = arith.addi %mul3A_9, %add3A_31 : i32
      %dma_start3A_33 = tpu.memref_slice %arg5[%add3A_32] : memref<163840xi32, #tpu.memory_space<hbm>> -> memref<64xi32, #tpu.memory_space<hbm>>
      %dma_start3A_34 = tpu.memref_slice %arg5[%add3A_32] : memref<163840xi32, #tpu.memory_space<hbm>> -> memref<64xi32, #tpu.memory_space<hbm>>
      tpu.enqueue_dma source(%dma_start3A_34 : memref<64xi32, #tpu.memory_space<hbm>>) target(%arg14 : memref<64xi32, #tpu.memory_space<vmem>>) target_semaphore(%arg22 : memref<!tpu.dma_semaphore, #tpu.memory_space<semaphore_mem>>)
      %dma_start3A_35 = arith.constant 1 : i32
      %dma_start3A_36 = arith.constant 0 : i32
      %dma_start3A_37 = tpu.memref_slice %arg8[%dma_start3A_35, %dma_start3A_36] : memref<80x128xi32, #tpu.memory_space<vmem>> -> memref<1x64xi32, #tpu.memory_space<vmem>>
      %dma_start3A_38 = tpu.memref_squeeze %dma_start3A_37 : memref<1x64xi32, #tpu.memory_space<vmem>> -> memref<64xi32, #tpu.memory_space<vmem>>
      %dma_start3A_39 = arith.constant 0 : i32
      %dma_start3A_40 = arith.constant 0 : i32
      %dma_start3A_41 = tpu.memref_slice %arg2[%dma_start3A_39, %dma_start3A_40] : memref<10000x128xf32, #tpu.memory_space<hbm>> -> memref<10000x128xf32, #tpu.memory_space<hbm>>
      tpu.enqueue_indirect_dma source(%dma_start3A_41 : memref<10000x128xf32, #tpu.memory_space<hbm>>) target(%arg11 : memref<64x128xf32, #tpu.memory_space<vmem>>) offsets(%dma_start3A_38 : memref<64xi32, #tpu.memory_space<vmem>>) semaphore(%arg19 : memref<!tpu.dma_semaphore, #tpu.memory_space<semaphore_mem>>)
      %add3A_42 = arith.constant 128 : i32
      %add3A_43 = arith.addi %mul3A_9, %add3A_42 : i32
      %dma_start3A_44 = tpu.memref_slice %arg5[%add3A_43] : memref<163840xi32, #tpu.memory_space<hbm>> -> memref<64xi32, #tpu.memory_space<hbm>>
      %dma_start3A_45 = tpu.memref_slice %arg5[%add3A_43] : memref<163840xi32, #tpu.memory_space<hbm>> -> memref<64xi32, #tpu.memory_space<hbm>>
      tpu.enqueue_dma source(%dma_start3A_45 : memref<64xi32, #tpu.memory_space<hbm>>) target(%arg15 : memref<64xi32, #tpu.memory_space<vmem>>) target_semaphore(%arg23 : memref<!tpu.dma_semaphore, #tpu.memory_space<semaphore_mem>>)
      %dma_start3A_46 = arith.constant 1 : i32
      %dma_start3A_47 = arith.constant 64 : i32
      %dma_start3A_48 = tpu.memref_slice %arg8[%dma_start3A_46, %dma_start3A_47] : memref<80x128xi32, #tpu.memory_space<vmem>> -> memref<1x64xi32, #tpu.memory_space<vmem>>
      %dma_start3A_49 = tpu.memref_squeeze %dma_start3A_48 : memref<1x64xi32, #tpu.memory_space<vmem>> -> memref<64xi32, #tpu.memory_space<vmem>>
      %dma_start3A_50 = arith.constant 0 : i32
      %dma_start3A_51 = arith.constant 0 : i32
      %dma_start3A_52 = tpu.memref_slice %arg2[%dma_start3A_50, %dma_start3A_51] : memref<10000x128xf32, #tpu.memory_space<hbm>> -> memref<10000x128xf32, #tpu.memory_space<hbm>>
      tpu.enqueue_indirect_dma source(%dma_start3A_52 : memref<10000x128xf32, #tpu.memory_space<hbm>>) target(%arg12 : memref<64x128xf32, #tpu.memory_space<vmem>>) offsets(%dma_start3A_49 : memref<64xi32, #tpu.memory_space<vmem>>) semaphore(%arg20 : memref<!tpu.dma_semaphore, #tpu.memory_space<semaphore_mem>>)
      %add3A_53 = arith.constant 192 : i32
      %add3A_54 = arith.addi %mul3A_9, %add3A_53 : i32
      %dma_start3A_55 = tpu.memref_slice %arg5[%add3A_54] : memref<163840xi32, #tpu.memory_space<hbm>> -> memref<64xi32, #tpu.memory_space<hbm>>
      %dma_start3A_56 = tpu.memref_slice %arg5[%add3A_54] : memref<163840xi32, #tpu.memory_space<hbm>> -> memref<64xi32, #tpu.memory_space<hbm>>
      tpu.enqueue_dma source(%dma_start3A_56 : memref<64xi32, #tpu.memory_space<hbm>>) target(%arg16 : memref<64xi32, #tpu.memory_space<vmem>>) target_semaphore(%arg24 : memref<!tpu.dma_semaphore, #tpu.memory_space<semaphore_mem>>)
      %scan3A = arith.constant 0 : i32
      %scan3A_57 = arith.constant 0 : i32
      %scan3A_58 = arith.constant 40 : i32
      %scan3A_59 = arith.addi %scan3A_57, %scan3A_58 : i32
      %scan3A_60 = arith.constant 1 : i32
      scf.for %scan3A_68 = %scan3A_57 to %scan3A_59 step %scan3A_60  : i32 {
        %mul3A_69 = arith.constant 4 : i32
        %mul3A_70 = arith.muli %scan3A_68, %mul3A_69 : i32
        %add3A_71 = arith.constant 0 : i32
        %add3A_72 = arith.addi %mul3A_70, %add3A_71 : i32
        %mul3A_73 = arith.constant 2 : i32
        %mul3A_74 = arith.muli %scan3A_68, %mul3A_73 : i32
        %add3A_75 = arith.constant 0 : i32
        %add3A_76 = arith.addi %mul3A_74, %add3A_75 : i32
        %dma_wait3A = arith.constant 0 : i32
        %dma_wait3A_77 = tpu.memref_slice %arg8[%add3A_76, %dma_wait3A] : memref<80x128xi32, #tpu.memory_space<vmem>> -> memref<1x64xi32, #tpu.memory_space<vmem>>
        %dma_wait3A_78 = tpu.memref_squeeze %dma_wait3A_77 : memref<1x64xi32, #tpu.memory_space<vmem>> -> memref<64xi32, #tpu.memory_space<vmem>>
        %dma_wait3A_79 = arith.constant 0 : i32
        %dma_wait3A_80 = arith.constant 0 : i32
        %dma_wait3A_81 = tpu.memref_slice %arg2[%dma_wait3A_79, %dma_wait3A_80] : memref<10000x128xf32, #tpu.memory_space<hbm>> -> memref<10000x128xf32, #tpu.memory_space<hbm>>
        tpu.wait_indirect_dma semaphore(%arg17 : memref<!tpu.dma_semaphore, #tpu.memory_space<semaphore_mem>>) src(%dma_wait3A_81 : memref<10000x128xf32, #tpu.memory_space<hbm>>) dst(%arg9 : memref<64x128xf32, #tpu.memory_space<vmem>>)
        %mul3A_82 = arith.constant 64 : i32
        %mul3A_83 = arith.muli %add3A_72, %mul3A_82 : i32
        %add3A_84 = arith.addi %mul3A_9, %mul3A_83 : i32
        %dma_wait3A_85 = tpu.memref_slice %arg5[%add3A_84] : memref<163840xi32, #tpu.memory_space<hbm>> -> memref<64xi32, #tpu.memory_space<hbm>>
        %dma_wait3A_86 = tpu.memref_slice %arg5[%add3A_84] : memref<163840xi32, #tpu.memory_space<hbm>> -> memref<64xi32, #tpu.memory_space<hbm>>
        tpu.wait_dma2 semaphore(%arg21 : memref<!tpu.dma_semaphore, #tpu.memory_space<semaphore_mem>>) src(%dma_wait3A_86 : memref<64xi32, #tpu.memory_space<hbm>>) dst(%arg13 : memref<64xi32, #tpu.memory_space<vmem>>)
        "tpu.region"() ({
          %run_scoped3A = tpu.sem_alloc : memref<!tpu.dma_semaphore, #tpu.memory_space<semaphore_mem>>
          %dma_start3A_165 = arith.constant 0 : i32
          %dma_start3A_166 = arith.constant 0 : i32
          %dma_start3A_167 = tpu.memref_slice %arg7[%dma_start3A_165, %dma_start3A_166] : memref<10008x128xf32, #tpu.memory_space<vmem_shared>> -> memref<10008x128xf32, #tpu.memory_space<vmem_shared>>
          tpu.enqueue_indirect_dma source(%arg9 : memref<64x128xf32, #tpu.memory_space<vmem>>) target(%dma_start3A_167 : memref<10008x128xf32, #tpu.memory_space<vmem_shared>>) offsets(%arg13 : memref<64xi32, #tpu.memory_space<vmem>>) semaphore(%run_scoped3A : memref<!tpu.dma_semaphore, #tpu.memory_space<semaphore_mem>>) {add = true}
          %dma_wait3A_168 = arith.constant 0 : i32
          %dma_wait3A_169 = arith.constant 0 : i32
          %dma_wait3A_170 = tpu.memref_slice %arg7[%dma_wait3A_168, %dma_wait3A_169] : memref<10008x128xf32, #tpu.memory_space<vmem_shared>> -> memref<10008x128xf32, #tpu.memory_space<vmem_shared>>
          tpu.wait_indirect_dma semaphore(%run_scoped3A : memref<!tpu.dma_semaphore, #tpu.memory_space<semaphore_mem>>) src(%arg9 : memref<64x128xf32, #tpu.memory_space<vmem>>) dst(%dma_wait3A_170 : memref<10008x128xf32, #tpu.memory_space<vmem_shared>>)
          tpu.yield
        }) : () -> ()
        %add3A_87 = arith.constant 4 : i32
        %add3A_88 = arith.addi %add3A_72, %add3A_87 : i32
        %lt3A = arith.constant 160 : i32
        %lt3A_89 = arith.cmpi slt, %add3A_88, %lt3A : i32
        %convert_element_type3A_90 = arith.extui %lt3A_89 : i1 to i32
        %cond3A_91 = arith.constant 0 : i32
        %cond3A_92 = arith.cmpi ne, %convert_element_type3A_90, %cond3A_91 : i32
        scf.if %cond3A_92 {
          %add3A_165 = arith.constant 2 : i32
          %add3A_166 = arith.addi %add3A_76, %add3A_165 : i32
          %dma_start3A_167 = arith.constant 0 : i32
          %dma_start3A_168 = tpu.memref_slice %arg8[%add3A_166, %dma_start3A_167] : memref<80x128xi32, #tpu.memory_space<vmem>> -> memref<1x64xi32, #tpu.memory_space<vmem>>
          %dma_start3A_169 = tpu.memref_squeeze %dma_start3A_168 : memref<1x64xi32, #tpu.memory_space<vmem>> -> memref<64xi32, #tpu.memory_space<vmem>>
          %dma_start3A_170 = arith.constant 0 : i32
          %dma_start3A_171 = arith.constant 0 : i32
          %dma_start3A_172 = tpu.memref_slice %arg2[%dma_start3A_170, %dma_start3A_171] : memref<10000x128xf32, #tpu.memory_space<hbm>> -> memref<10000x128xf32, #tpu.memory_space<hbm>>
          tpu.enqueue_indirect_dma source(%dma_start3A_172 : memref<10000x128xf32, #tpu.memory_space<hbm>>) target(%arg9 : memref<64x128xf32, #tpu.memory_space<vmem>>) offsets(%dma_start3A_169 : memref<64xi32, #tpu.memory_space<vmem>>) semaphore(%arg17 : memref<!tpu.dma_semaphore, #tpu.memory_space<semaphore_mem>>)
          %add3A_173 = arith.constant 4 : i32
          %add3A_174 = arith.addi %add3A_72, %add3A_173 : i32
          %mul3A_175 = arith.constant 64 : i32
          %mul3A_176 = arith.muli %add3A_174, %mul3A_175 : i32
          %add3A_177 = arith.addi %mul3A_9, %mul3A_176 : i32
          %dma_start3A_178 = tpu.memref_slice %arg5[%add3A_177] : memref<163840xi32, #tpu.memory_space<hbm>> -> memref<64xi32, #tpu.memory_space<hbm>>
          %dma_start3A_179 = tpu.memref_slice %arg5[%add3A_177] : memref<163840xi32, #tpu.memory_space<hbm>> -> memref<64xi32, #tpu.memory_space<hbm>>
          tpu.enqueue_dma source(%dma_start3A_179 : memref<64xi32, #tpu.memory_space<hbm>>) target(%arg13 : memref<64xi32, #tpu.memory_space<vmem>>) target_semaphore(%arg21 : memref<!tpu.dma_semaphore, #tpu.memory_space<semaphore_mem>>)
        } else {
        }
        %add3A_93 = arith.constant 1 : i32
        %add3A_94 = arith.addi %mul3A_70, %add3A_93 : i32
        %mul3A_95 = arith.constant 2 : i32
        %mul3A_96 = arith.muli %scan3A_68, %mul3A_95 : i32
        %add3A_97 = arith.constant 0 : i32
        %add3A_98 = arith.addi %mul3A_96, %add3A_97 : i32
        %dma_wait3A_99 = arith.constant 64 : i32
        %dma_wait3A_100 = tpu.memref_slice %arg8[%add3A_98, %dma_wait3A_99] : memref<80x128xi32, #tpu.memory_space<vmem>> -> memref<1x64xi32, #tpu.memory_space<vmem>>
        %dma_wait3A_101 = tpu.memref_squeeze %dma_wait3A_100 : memref<1x64xi32, #tpu.memory_space<vmem>> -> memref<64xi32, #tpu.memory_space<vmem>>
        %dma_wait3A_102 = arith.constant 0 : i32
        %dma_wait3A_103 = arith.constant 0 : i32
        %dma_wait3A_104 = tpu.memref_slice %arg2[%dma_wait3A_102, %dma_wait3A_103] : memref<10000x128xf32, #tpu.memory_space<hbm>> -> memref<10000x128xf32, #tpu.memory_space<hbm>>
        tpu.wait_indirect_dma semaphore(%arg18 : memref<!tpu.dma_semaphore, #tpu.memory_space<semaphore_mem>>) src(%dma_wait3A_104 : memref<10000x128xf32, #tpu.memory_space<hbm>>) dst(%arg10 : memref<64x128xf32, #tpu.memory_space<vmem>>)
        %mul3A_105 = arith.constant 64 : i32
        %mul3A_106 = arith.muli %add3A_94, %mul3A_105 : i32
        %add3A_107 = arith.addi %mul3A_9, %mul3A_106 : i32
        %dma_wait3A_108 = tpu.memref_slice %arg5[%add3A_107] : memref<163840xi32, #tpu.memory_space<hbm>> -> memref<64xi32, #tpu.memory_space<hbm>>
        %dma_wait3A_109 = tpu.memref_slice %arg5[%add3A_107] : memref<163840xi32, #tpu.memory_space<hbm>> -> memref<64xi32, #tpu.memory_space<hbm>>
        tpu.wait_dma2 semaphore(%arg22 : memref<!tpu.dma_semaphore, #tpu.memory_space<semaphore_mem>>) src(%dma_wait3A_109 : memref<64xi32, #tpu.memory_space<hbm>>) dst(%arg14 : memref<64xi32, #tpu.memory_space<vmem>>)
        "tpu.region"() ({
          %run_scoped3A = tpu.sem_alloc : memref<!tpu.dma_semaphore, #tpu.memory_space<semaphore_mem>>
          %dma_start3A_165 = arith.constant 0 : i32
          %dma_start3A_166 = arith.constant 0 : i32
          %dma_start3A_167 = tpu.memref_slice %arg7[%dma_start3A_165, %dma_start3A_166] : memref<10008x128xf32, #tpu.memory_space<vmem_shared>> -> memref<10008x128xf32, #tpu.memory_space<vmem_shared>>
          tpu.enqueue_indirect_dma source(%arg10 : memref<64x128xf32, #tpu.memory_space<vmem>>) target(%dma_start3A_167 : memref<10008x128xf32, #tpu.memory_space<vmem_shared>>) offsets(%arg14 : memref<64xi32, #tpu.memory_space<vmem>>) semaphore(%run_scoped3A : memref<!tpu.dma_semaphore, #tpu.memory_space<semaphore_mem>>) {add = true}
          %dma_wait3A_168 = arith.constant 0 : i32
          %dma_wait3A_169 = arith.constant 0 : i32
          %dma_wait3A_170 = tpu.memref_slice %arg7[%dma_wait3A_168, %dma_wait3A_169] : memref<10008x128xf32, #tpu.memory_space<vmem_shared>> -> memref<10008x128xf32, #tpu.memory_space<vmem_shared>>
          tpu.wait_indirect_dma semaphore(%run_scoped3A : memref<!tpu.dma_semaphore, #tpu.memory_space<semaphore_mem>>) src(%arg10 : memref<64x128xf32, #tpu.memory_space<vmem>>) dst(%dma_wait3A_170 : memref<10008x128xf32, #tpu.memory_space<vmem_shared>>)
          tpu.yield
        }) : () -> ()
        %add3A_110 = arith.constant 4 : i32
        %add3A_111 = arith.addi %add3A_94, %add3A_110 : i32
        %lt3A_112 = arith.constant 160 : i32
        %lt3A_113 = arith.cmpi slt, %add3A_111, %lt3A_112 : i32
        %convert_element_type3A_114 = arith.extui %lt3A_113 : i1 to i32
        %cond3A_115 = arith.constant 0 : i32
        %cond3A_116 = arith.cmpi ne, %convert_element_type3A_114, %cond3A_115 : i32
        scf.if %cond3A_116 {
          %add3A_165 = arith.constant 2 : i32
          %add3A_166 = arith.addi %add3A_98, %add3A_165 : i32
          %dma_start3A_167 = arith.constant 64 : i32
          %dma_start3A_168 = tpu.memref_slice %arg8[%add3A_166, %dma_start3A_167] : memref<80x128xi32, #tpu.memory_space<vmem>> -> memref<1x64xi32, #tpu.memory_space<vmem>>
          %dma_start3A_169 = tpu.memref_squeeze %dma_start3A_168 : memref<1x64xi32, #tpu.memory_space<vmem>> -> memref<64xi32, #tpu.memory_space<vmem>>
          %dma_start3A_170 = arith.constant 0 : i32
          %dma_start3A_171 = arith.constant 0 : i32
          %dma_start3A_172 = tpu.memref_slice %arg2[%dma_start3A_170, %dma_start3A_171] : memref<10000x128xf32, #tpu.memory_space<hbm>> -> memref<10000x128xf32, #tpu.memory_space<hbm>>
          tpu.enqueue_indirect_dma source(%dma_start3A_172 : memref<10000x128xf32, #tpu.memory_space<hbm>>) target(%arg10 : memref<64x128xf32, #tpu.memory_space<vmem>>) offsets(%dma_start3A_169 : memref<64xi32, #tpu.memory_space<vmem>>) semaphore(%arg18 : memref<!tpu.dma_semaphore, #tpu.memory_space<semaphore_mem>>)
          %add3A_173 = arith.constant 4 : i32
          %add3A_174 = arith.addi %add3A_94, %add3A_173 : i32
          %mul3A_175 = arith.constant 64 : i32
          %mul3A_176 = arith.muli %add3A_174, %mul3A_175 : i32
          %add3A_177 = arith.addi %mul3A_9, %mul3A_176 : i32
          %dma_start3A_178 = tpu.memref_slice %arg5[%add3A_177] : memref<163840xi32, #tpu.memory_space<hbm>> -> memref<64xi32, #tpu.memory_space<hbm>>
          %dma_start3A_179 = tpu.memref_slice %arg5[%add3A_177] : memref<163840xi32, #tpu.memory_space<hbm>> -> memref<64xi32, #tpu.memory_space<hbm>>
          tpu.enqueue_dma source(%dma_start3A_179 : memref<64xi32, #tpu.memory_space<hbm>>) target(%arg14 : memref<64xi32, #tpu.memory_space<vmem>>) target_semaphore(%arg22 : memref<!tpu.dma_semaphore, #tpu.memory_space<semaphore_mem>>)
        } else {
        }
        %add3A_117 = arith.constant 2 : i32
        %add3A_118 = arith.addi %mul3A_70, %add3A_117 : i32
        %mul3A_119 = arith.constant 2 : i32
        %mul3A_120 = arith.muli %scan3A_68, %mul3A_119 : i32
        %add3A_121 = arith.constant 1 : i32
        %add3A_122 = arith.addi %mul3A_120, %add3A_121 : i32
        %dma_wait3A_123 = arith.constant 0 : i32
        %dma_wait3A_124 = tpu.memref_slice %arg8[%add3A_122, %dma_wait3A_123] : memref<80x128xi32, #tpu.memory_space<vmem>> -> memref<1x64xi32, #tpu.memory_space<vmem>>
        %dma_wait3A_125 = tpu.memref_squeeze %dma_wait3A_124 : memref<1x64xi32, #tpu.memory_space<vmem>> -> memref<64xi32, #tpu.memory_space<vmem>>
        %dma_wait3A_126 = arith.constant 0 : i32
        %dma_wait3A_127 = arith.constant 0 : i32
        %dma_wait3A_128 = tpu.memref_slice %arg2[%dma_wait3A_126, %dma_wait3A_127] : memref<10000x128xf32, #tpu.memory_space<hbm>> -> memref<10000x128xf32, #tpu.memory_space<hbm>>
        tpu.wait_indirect_dma semaphore(%arg19 : memref<!tpu.dma_semaphore, #tpu.memory_space<semaphore_mem>>) src(%dma_wait3A_128 : memref<10000x128xf32, #tpu.memory_space<hbm>>) dst(%arg11 : memref<64x128xf32, #tpu.memory_space<vmem>>)
        %mul3A_129 = arith.constant 64 : i32
        %mul3A_130 = arith.muli %add3A_118, %mul3A_129 : i32
        %add3A_131 = arith.addi %mul3A_9, %mul3A_130 : i32
        %dma_wait3A_132 = tpu.memref_slice %arg5[%add3A_131] : memref<163840xi32, #tpu.memory_space<hbm>> -> memref<64xi32, #tpu.memory_space<hbm>>
        %dma_wait3A_133 = tpu.memref_slice %arg5[%add3A_131] : memref<163840xi32, #tpu.memory_space<hbm>> -> memref<64xi32, #tpu.memory_space<hbm>>
        tpu.wait_dma2 semaphore(%arg23 : memref<!tpu.dma_semaphore, #tpu.memory_space<semaphore_mem>>) src(%dma_wait3A_133 : memref<64xi32, #tpu.memory_space<hbm>>) dst(%arg15 : memref<64xi32, #tpu.memory_space<vmem>>)
        "tpu.region"() ({
          %run_scoped3A = tpu.sem_alloc : memref<!tpu.dma_semaphore, #tpu.memory_space<semaphore_mem>>
          %dma_start3A_165 = arith.constant 0 : i32
          %dma_start3A_166 = arith.constant 0 : i32
          %dma_start3A_167 = tpu.memref_slice %arg7[%dma_start3A_165, %dma_start3A_166] : memref<10008x128xf32, #tpu.memory_space<vmem_shared>> -> memref<10008x128xf32, #tpu.memory_space<vmem_shared>>
          tpu.enqueue_indirect_dma source(%arg11 : memref<64x128xf32, #tpu.memory_space<vmem>>) target(%dma_start3A_167 : memref<10008x128xf32, #tpu.memory_space<vmem_shared>>) offsets(%arg15 : memref<64xi32, #tpu.memory_space<vmem>>) semaphore(%run_scoped3A : memref<!tpu.dma_semaphore, #tpu.memory_space<semaphore_mem>>) {add = true}
          %dma_wait3A_168 = arith.constant 0 : i32
          %dma_wait3A_169 = arith.constant 0 : i32
          %dma_wait3A_170 = tpu.memref_slice %arg7[%dma_wait3A_168, %dma_wait3A_169] : memref<10008x128xf32, #tpu.memory_space<vmem_shared>> -> memref<10008x128xf32, #tpu.memory_space<vmem_shared>>
          tpu.wait_indirect_dma semaphore(%run_scoped3A : memref<!tpu.dma_semaphore, #tpu.memory_space<semaphore_mem>>) src(%arg11 : memref<64x128xf32, #tpu.memory_space<vmem>>) dst(%dma_wait3A_170 : memref<10008x128xf32, #tpu.memory_space<vmem_shared>>)
          tpu.yield
        }) : () -> ()
        %add3A_134 = arith.constant 4 : i32
        %add3A_135 = arith.addi %add3A_118, %add3A_134 : i32
        %lt3A_136 = arith.constant 160 : i32
        %lt3A_137 = arith.cmpi slt, %add3A_135, %lt3A_136 : i32
        %convert_element_type3A_138 = arith.extui %lt3A_137 : i1 to i32
        %cond3A_139 = arith.constant 0 : i32
        %cond3A_140 = arith.cmpi ne, %convert_element_type3A_138, %cond3A_139 : i32
        scf.if %cond3A_140 {
          %add3A_165 = arith.constant 2 : i32
          %add3A_166 = arith.addi %add3A_122, %add3A_165 : i32
          %dma_start3A_167 = arith.constant 0 : i32
          %dma_start3A_168 = tpu.memref_slice %arg8[%add3A_166, %dma_start3A_167] : memref<80x128xi32, #tpu.memory_space<vmem>> -> memref<1x64xi32, #tpu.memory_space<vmem>>
          %dma_start3A_169 = tpu.memref_squeeze %dma_start3A_168 : memref<1x64xi32, #tpu.memory_space<vmem>> -> memref<64xi32, #tpu.memory_space<vmem>>
          %dma_start3A_170 = arith.constant 0 : i32
          %dma_start3A_171 = arith.constant 0 : i32
          %dma_start3A_172 = tpu.memref_slice %arg2[%dma_start3A_170, %dma_start3A_171] : memref<10000x128xf32, #tpu.memory_space<hbm>> -> memref<10000x128xf32, #tpu.memory_space<hbm>>
          tpu.enqueue_indirect_dma source(%dma_start3A_172 : memref<10000x128xf32, #tpu.memory_space<hbm>>) target(%arg11 : memref<64x128xf32, #tpu.memory_space<vmem>>) offsets(%dma_start3A_169 : memref<64xi32, #tpu.memory_space<vmem>>) semaphore(%arg19 : memref<!tpu.dma_semaphore, #tpu.memory_space<semaphore_mem>>)
          %add3A_173 = arith.constant 4 : i32
          %add3A_174 = arith.addi %add3A_118, %add3A_173 : i32
          %mul3A_175 = arith.constant 64 : i32
          %mul3A_176 = arith.muli %add3A_174, %mul3A_175 : i32
          %add3A_177 = arith.addi %mul3A_9, %mul3A_176 : i32
          %dma_start3A_178 = tpu.memref_slice %arg5[%add3A_177] : memref<163840xi32, #tpu.memory_space<hbm>> -> memref<64xi32, #tpu.memory_space<hbm>>
          %dma_start3A_179 = tpu.memref_slice %arg5[%add3A_177] : memref<163840xi32, #tpu.memory_space<hbm>> -> memref<64xi32, #tpu.memory_space<hbm>>
          tpu.enqueue_dma source(%dma_start3A_179 : memref<64xi32, #tpu.memory_space<hbm>>) target(%arg15 : memref<64xi32, #tpu.memory_space<vmem>>) target_semaphore(%arg23 : memref<!tpu.dma_semaphore, #tpu.memory_space<semaphore_mem>>)
        } else {
        }
        %add3A_141 = arith.constant 3 : i32
        %add3A_142 = arith.addi %mul3A_70, %add3A_141 : i32
        %mul3A_143 = arith.constant 2 : i32
        %mul3A_144 = arith.muli %scan3A_68, %mul3A_143 : i32
        %add3A_145 = arith.constant 1 : i32
        %add3A_146 = arith.addi %mul3A_144, %add3A_145 : i32
        %dma_wait3A_147 = arith.constant 64 : i32
        %dma_wait3A_148 = tpu.memref_slice %arg8[%add3A_146, %dma_wait3A_147] : memref<80x128xi32, #tpu.memory_space<vmem>> -> memref<1x64xi32, #tpu.memory_space<vmem>>
        %dma_wait3A_149 = tpu.memref_squeeze %dma_wait3A_148 : memref<1x64xi32, #tpu.memory_space<vmem>> -> memref<64xi32, #tpu.memory_space<vmem>>
        %dma_wait3A_150 = arith.constant 0 : i32
        %dma_wait3A_151 = arith.constant 0 : i32
        %dma_wait3A_152 = tpu.memref_slice %arg2[%dma_wait3A_150, %dma_wait3A_151] : memref<10000x128xf32, #tpu.memory_space<hbm>> -> memref<10000x128xf32, #tpu.memory_space<hbm>>
        tpu.wait_indirect_dma semaphore(%arg20 : memref<!tpu.dma_semaphore, #tpu.memory_space<semaphore_mem>>) src(%dma_wait3A_152 : memref<10000x128xf32, #tpu.memory_space<hbm>>) dst(%arg12 : memref<64x128xf32, #tpu.memory_space<vmem>>)
        %mul3A_153 = arith.constant 64 : i32
        %mul3A_154 = arith.muli %add3A_142, %mul3A_153 : i32
        %add3A_155 = arith.addi %mul3A_9, %mul3A_154 : i32
        %dma_wait3A_156 = tpu.memref_slice %arg5[%add3A_155] : memref<163840xi32, #tpu.memory_space<hbm>> -> memref<64xi32, #tpu.memory_space<hbm>>
        %dma_wait3A_157 = tpu.memref_slice %arg5[%add3A_155] : memref<163840xi32, #tpu.memory_space<hbm>> -> memref<64xi32, #tpu.memory_space<hbm>>
        tpu.wait_dma2 semaphore(%arg24 : memref<!tpu.dma_semaphore, #tpu.memory_space<semaphore_mem>>) src(%dma_wait3A_157 : memref<64xi32, #tpu.memory_space<hbm>>) dst(%arg16 : memref<64xi32, #tpu.memory_space<vmem>>)
        "tpu.region"() ({
          %run_scoped3A = tpu.sem_alloc : memref<!tpu.dma_semaphore, #tpu.memory_space<semaphore_mem>>
          %dma_start3A_165 = arith.constant 0 : i32
          %dma_start3A_166 = arith.constant 0 : i32
          %dma_start3A_167 = tpu.memref_slice %arg7[%dma_start3A_165, %dma_start3A_166] : memref<10008x128xf32, #tpu.memory_space<vmem_shared>> -> memref<10008x128xf32, #tpu.memory_space<vmem_shared>>
          tpu.enqueue_indirect_dma source(%arg12 : memref<64x128xf32, #tpu.memory_space<vmem>>) target(%dma_start3A_167 : memref<10008x128xf32, #tpu.memory_space<vmem_shared>>) offsets(%arg16 : memref<64xi32, #tpu.memory_space<vmem>>) semaphore(%run_scoped3A : memref<!tpu.dma_semaphore, #tpu.memory_space<semaphore_mem>>) {add = true}
          %dma_wait3A_168 = arith.constant 0 : i32
          %dma_wait3A_169 = arith.constant 0 : i32
          %dma_wait3A_170 = tpu.memref_slice %arg7[%dma_wait3A_168, %dma_wait3A_169] : memref<10008x128xf32, #tpu.memory_space<vmem_shared>> -> memref<10008x128xf32, #tpu.memory_space<vmem_shared>>
          tpu.wait_indirect_dma semaphore(%run_scoped3A : memref<!tpu.dma_semaphore, #tpu.memory_space<semaphore_mem>>) src(%arg12 : memref<64x128xf32, #tpu.memory_space<vmem>>) dst(%dma_wait3A_170 : memref<10008x128xf32, #tpu.memory_space<vmem_shared>>)
          tpu.yield
        }) : () -> ()
        %add3A_158 = arith.constant 4 : i32
        %add3A_159 = arith.addi %add3A_142, %add3A_158 : i32
        %lt3A_160 = arith.constant 160 : i32
        %lt3A_161 = arith.cmpi slt, %add3A_159, %lt3A_160 : i32
        %convert_element_type3A_162 = arith.extui %lt3A_161 : i1 to i32
        %cond3A_163 = arith.constant 0 : i32
        %cond3A_164 = arith.cmpi ne, %convert_element_type3A_162, %cond3A_163 : i32
        scf.if %cond3A_164 {
          %add3A_165 = arith.constant 2 : i32
          %add3A_166 = arith.addi %add3A_146, %add3A_165 : i32
          %dma_start3A_167 = arith.constant 64 : i32
          %dma_start3A_168 = tpu.memref_slice %arg8[%add3A_166, %dma_start3A_167] : memref<80x128xi32, #tpu.memory_space<vmem>> -> memref<1x64xi32, #tpu.memory_space<vmem>>
          %dma_start3A_169 = tpu.memref_squeeze %dma_start3A_168 : memref<1x64xi32, #tpu.memory_space<vmem>> -> memref<64xi32, #tpu.memory_space<vmem>>
          %dma_start3A_170 = arith.constant 0 : i32
          %dma_start3A_171 = arith.constant 0 : i32
          %dma_start3A_172 = tpu.memref_slice %arg2[%dma_start3A_170, %dma_start3A_171] : memref<10000x128xf32, #tpu.memory_space<hbm>> -> memref<10000x128xf32, #tpu.memory_space<hbm>>
          tpu.enqueue_indirect_dma source(%dma_start3A_172 : memref<10000x128xf32, #tpu.memory_space<hbm>>) target(%arg12 : memref<64x128xf32, #tpu.memory_space<vmem>>) offsets(%dma_start3A_169 : memref<64xi32, #tpu.memory_space<vmem>>) semaphore(%arg20 : memref<!tpu.dma_semaphore, #tpu.memory_space<semaphore_mem>>)
          %add3A_173 = arith.constant 4 : i32
          %add3A_174 = arith.addi %add3A_142, %add3A_173 : i32
          %mul3A_175 = arith.constant 64 : i32
          %mul3A_176 = arith.muli %add3A_174, %mul3A_175 : i32
          %add3A_177 = arith.addi %mul3A_9, %mul3A_176 : i32
          %dma_start3A_178 = tpu.memref_slice %arg5[%add3A_177] : memref<163840xi32, #tpu.memory_space<hbm>> -> memref<64xi32, #tpu.memory_space<hbm>>
          %dma_start3A_179 = tpu.memref_slice %arg5[%add3A_177] : memref<163840xi32, #tpu.memory_space<hbm>> -> memref<64xi32, #tpu.memory_space<hbm>>
          tpu.enqueue_dma source(%dma_start3A_179 : memref<64xi32, #tpu.memory_space<hbm>>) target(%arg16 : memref<64xi32, #tpu.memory_space<vmem>>) target_semaphore(%arg24 : memref<!tpu.dma_semaphore, #tpu.memory_space<semaphore_mem>>)
        } else {
        }
      }
      %scan3A_61 = arith.constant 40 : i32
      %barrier3A_62 = arith.constant 0 : index
      tpu.barrier barrier_id(%barrier3A_62)
      "tpu.region"() ({
        %run_scoped3A = tpu.sem_alloc : memref<!tpu.dma_semaphore, #tpu.memory_space<semaphore_mem>>
        %dma_start3A_68 = arith.constant 0 : i32
        %dma_start3A_69 = tpu.memref_slice %arg6[%mul3A_7, %dma_start3A_68] : memref<10000x256xf32, #tpu.memory_space<hbm>> -> memref<624x128xf32, #tpu.memory_space<hbm>>
        %dma_start3A_70 = arith.constant 0 : i32
        %dma_start3A_71 = tpu.memref_slice %arg7[%mul3A_7, %dma_start3A_70] : memref<10008x128xf32, #tpu.memory_space<vmem_shared>> -> memref<624x128xf32, #tpu.memory_space<vmem_shared>>
        tpu.enqueue_dma source(%dma_start3A_71 : memref<624x128xf32, #tpu.memory_space<vmem_shared>>) target(%dma_start3A_69 : memref<624x128xf32, #tpu.memory_space<hbm>>) target_semaphore(%run_scoped3A : memref<!tpu.dma_semaphore, #tpu.memory_space<semaphore_mem>>)
        %dma_wait3A = arith.constant 0 : i32
        %dma_wait3A_72 = tpu.memref_slice %arg6[%mul3A_7, %dma_wait3A] : memref<10000x256xf32, #tpu.memory_space<hbm>> -> memref<624x128xf32, #tpu.memory_space<hbm>>
        %dma_wait3A_73 = arith.constant 0 : i32
        %dma_wait3A_74 = tpu.memref_slice %arg7[%mul3A_7, %dma_wait3A_73] : memref<10008x128xf32, #tpu.memory_space<vmem_shared>> -> memref<624x128xf32, #tpu.memory_space<vmem_shared>>
        tpu.wait_dma2 semaphore(%run_scoped3A : memref<!tpu.dma_semaphore, #tpu.memory_space<semaphore_mem>>) src(%dma_wait3A_74 : memref<624x128xf32, #tpu.memory_space<vmem_shared>>) dst(%dma_wait3A_72 : memref<624x128xf32, #tpu.memory_space<hbm>>)
        tpu.yield
      }) : () -> ()
      %eq3A_63 = arith.constant 15 : i32
      %eq3A_64 = arith.cmpi eq, %arg1, %eq3A_63 : i32
      %convert_element_type3A_65 = arith.extui %eq3A_64 : i1 to i32
      %cond3A_66 = arith.constant 0 : i32
      %cond3A_67 = arith.cmpi ne, %convert_element_type3A_65, %cond3A_66 : i32
      scf.if %cond3A_67 {
        "tpu.region"() ({
          %run_scoped3A = tpu.sem_alloc : memref<!tpu.dma_semaphore, #tpu.memory_space<semaphore_mem>>
          %dma_start3A_68 = arith.constant 9984 : i32
          %dma_start3A_69 = arith.constant 0 : i32
          %dma_start3A_70 = tpu.memref_slice %arg6[%dma_start3A_68, %dma_start3A_69] : memref<10000x256xf32, #tpu.memory_space<hbm>> -> memref<16x128xf32, #tpu.memory_space<hbm>>
          %dma_start3A_71 = arith.constant 9984 : i32
          %dma_start3A_72 = arith.constant 0 : i32
          %dma_start3A_73 = tpu.memref_slice %arg7[%dma_start3A_71, %dma_start3A_72] : memref<10008x128xf32, #tpu.memory_space<vmem_shared>> -> memref<16x128xf32, #tpu.memory_space<vmem_shared>>
          tpu.enqueue_dma source(%dma_start3A_73 : memref<16x128xf32, #tpu.memory_space<vmem_shared>>) target(%dma_start3A_70 : memref<16x128xf32, #tpu.memory_space<hbm>>) target_semaphore(%run_scoped3A : memref<!tpu.dma_semaphore, #tpu.memory_space<semaphore_mem>>)
          %dma_wait3A = arith.constant 9984 : i32
          %dma_wait3A_74 = arith.constant 0 : i32
          %dma_wait3A_75 = tpu.memref_slice %arg6[%dma_wait3A, %dma_wait3A_74] : memref<10000x256xf32, #tpu.memory_space<hbm>> -> memref<16x128xf32, #tpu.memory_space<hbm>>
          %dma_wait3A_76 = arith.constant 9984 : i32
          %dma_wait3A_77 = arith.constant 0 : i32
          %dma_wait3A_78 = tpu.memref_slice %arg7[%dma_wait3A_76, %dma_wait3A_77] : memref<10008x128xf32, #tpu.memory_space<vmem_shared>> -> memref<16x128xf32, #tpu.memory_space<vmem_shared>>
          tpu.wait_dma2 semaphore(%run_scoped3A : memref<!tpu.dma_semaphore, #tpu.memory_space<semaphore_mem>>) src(%dma_wait3A_78 : memref<16x128xf32, #tpu.memory_space<vmem_shared>>) dst(%dma_wait3A_75 : memref<16x128xf32, #tpu.memory_space<hbm>>)
          tpu.yield
        }) : () -> ()
      } else {
      }
    } else {
    }
    %eq3A_2 = arith.constant 1 : i32
    %eq3A_3 = arith.cmpi eq, %arg0, %eq3A_2 : i32
    %convert_element_type3A_4 = arith.extui %eq3A_3 : i1 to i32
    %cond3A_5 = arith.constant 0 : i32
    %cond3A_6 = arith.cmpi ne, %convert_element_type3A_4, %cond3A_5 : i32
    scf.if %cond3A_6 {
      %mul3A = arith.constant 624 : i32
      %mul3A_7 = arith.muli %arg1, %mul3A : i32
      %mul3A_8 = arith.constant 10240 : i32
      %mul3A_9 = arith.muli %arg1, %mul3A_8 : i32
      "tpu.region"() ({
        %run_scoped3A = tpu.sem_alloc : memref<!tpu.dma_semaphore, #tpu.memory_space<semaphore_mem>>
        %dma_start3A_68 = arith.constant 0 : i32
        %dma_start3A_69 = tpu.memref_slice %arg7[%mul3A_7, %dma_start3A_68] : memref<10008x128xf32, #tpu.memory_space<vmem_shared>> -> memref<624x128xf32, #tpu.memory_space<vmem_shared>>
        %dma_start3A_70 = arith.constant 0 : i32
        %dma_start3A_71 = tpu.memref_slice %arg3[%mul3A_7, %dma_start3A_70] : memref<10000x128xf32, #tpu.memory_space<hbm>> -> memref<624x128xf32, #tpu.memory_space<hbm>>
        tpu.enqueue_dma source(%dma_start3A_71 : memref<624x128xf32, #tpu.memory_space<hbm>>) target(%dma_start3A_69 : memref<624x128xf32, #tpu.memory_space<vmem_shared>>) target_semaphore(%run_scoped3A : memref<!tpu.dma_semaphore, #tpu.memory_space<semaphore_mem>>)
        %dma_wait3A = arith.constant 0 : i32
        %dma_wait3A_72 = tpu.memref_slice %arg7[%mul3A_7, %dma_wait3A] : memref<10008x128xf32, #tpu.memory_space<vmem_shared>> -> memref<624x128xf32, #tpu.memory_space<vmem_shared>>
        %dma_wait3A_73 = arith.constant 0 : i32
        %dma_wait3A_74 = tpu.memref_slice %arg3[%mul3A_7, %dma_wait3A_73] : memref<10000x128xf32, #tpu.memory_space<hbm>> -> memref<624x128xf32, #tpu.memory_space<hbm>>
        tpu.wait_dma2 semaphore(%run_scoped3A : memref<!tpu.dma_semaphore, #tpu.memory_space<semaphore_mem>>) src(%dma_wait3A_74 : memref<624x128xf32, #tpu.memory_space<hbm>>) dst(%dma_wait3A_72 : memref<624x128xf32, #tpu.memory_space<vmem_shared>>)
        tpu.yield
      }) : () -> ()
      %eq3A_10 = arith.constant 15 : i32
      %eq3A_11 = arith.cmpi eq, %arg1, %eq3A_10 : i32
      %convert_element_type3A_12 = arith.extui %eq3A_11 : i1 to i32
      %cond3A_13 = arith.constant 0 : i32
      %cond3A_14 = arith.cmpi ne, %convert_element_type3A_12, %cond3A_13 : i32
      scf.if %cond3A_14 {
        "tpu.region"() ({
          %run_scoped3A = tpu.sem_alloc : memref<!tpu.dma_semaphore, #tpu.memory_space<semaphore_mem>>
          %dma_start3A_68 = arith.constant 9984 : i32
          %dma_start3A_69 = arith.constant 0 : i32
          %dma_start3A_70 = tpu.memref_slice %arg7[%dma_start3A_68, %dma_start3A_69] : memref<10008x128xf32, #tpu.memory_space<vmem_shared>> -> memref<16x128xf32, #tpu.memory_space<vmem_shared>>
          %dma_start3A_71 = arith.constant 9984 : i32
          %dma_start3A_72 = arith.constant 0 : i32
          %dma_start3A_73 = tpu.memref_slice %arg3[%dma_start3A_71, %dma_start3A_72] : memref<10000x128xf32, #tpu.memory_space<hbm>> -> memref<16x128xf32, #tpu.memory_space<hbm>>
          tpu.enqueue_dma source(%dma_start3A_73 : memref<16x128xf32, #tpu.memory_space<hbm>>) target(%dma_start3A_70 : memref<16x128xf32, #tpu.memory_space<vmem_shared>>) target_semaphore(%run_scoped3A : memref<!tpu.dma_semaphore, #tpu.memory_space<semaphore_mem>>)
          %dma_wait3A = arith.constant 9984 : i32
          %dma_wait3A_74 = arith.constant 0 : i32
          %dma_wait3A_75 = tpu.memref_slice %arg7[%dma_wait3A, %dma_wait3A_74] : memref<10008x128xf32, #tpu.memory_space<vmem_shared>> -> memref<16x128xf32, #tpu.memory_space<vmem_shared>>
          %dma_wait3A_76 = arith.constant 9984 : i32
          %dma_wait3A_77 = arith.constant 0 : i32
          %dma_wait3A_78 = tpu.memref_slice %arg3[%dma_wait3A_76, %dma_wait3A_77] : memref<10000x128xf32, #tpu.memory_space<hbm>> -> memref<16x128xf32, #tpu.memory_space<hbm>>
          tpu.wait_dma2 semaphore(%run_scoped3A : memref<!tpu.dma_semaphore, #tpu.memory_space<semaphore_mem>>) src(%dma_wait3A_78 : memref<16x128xf32, #tpu.memory_space<hbm>>) dst(%dma_wait3A_75 : memref<16x128xf32, #tpu.memory_space<vmem_shared>>)
          tpu.yield
        }) : () -> ()
      } else {
      }
      "tpu.region"() ({
        %run_scoped3A = tpu.sem_alloc : memref<!tpu.dma_semaphore, #tpu.memory_space<semaphore_mem>>
        %dma_start3A_68 = arith.constant 0 : i32
        %dma_start3A_69 = arith.constant 0 : i32
        %dma_start3A_70 = tpu.memref_slice %arg4[%arg1, %dma_start3A_68, %dma_start3A_69] : memref<16x80x128xi32, #tpu.memory_space<hbm>> -> memref<1x80x128xi32, #tpu.memory_space<hbm>>
        %dma_start3A_71 = tpu.memref_squeeze %dma_start3A_70 : memref<1x80x128xi32, #tpu.memory_space<hbm>> -> memref<80x128xi32, #tpu.memory_space<hbm>>
        %dma_start3A_72 = arith.constant 0 : i32
        %dma_start3A_73 = arith.constant 0 : i32
        %dma_start3A_74 = tpu.memref_slice %arg4[%arg1, %dma_start3A_72, %dma_start3A_73] : memref<16x80x128xi32, #tpu.memory_space<hbm>> -> memref<1x80x128xi32, #tpu.memory_space<hbm>>
        %dma_start3A_75 = tpu.memref_squeeze %dma_start3A_74 : memref<1x80x128xi32, #tpu.memory_space<hbm>> -> memref<80x128xi32, #tpu.memory_space<hbm>>
        tpu.enqueue_dma source(%dma_start3A_75 : memref<80x128xi32, #tpu.memory_space<hbm>>) target(%arg8 : memref<80x128xi32, #tpu.memory_space<vmem>>) target_semaphore(%run_scoped3A : memref<!tpu.dma_semaphore, #tpu.memory_space<semaphore_mem>>)
        %dma_wait3A = arith.constant 0 : i32
        %dma_wait3A_76 = arith.constant 0 : i32
        %dma_wait3A_77 = tpu.memref_slice %arg4[%arg1, %dma_wait3A, %dma_wait3A_76] : memref<16x80x128xi32, #tpu.memory_space<hbm>> -> memref<1x80x128xi32, #tpu.memory_space<hbm>>
        %dma_wait3A_78 = tpu.memref_squeeze %dma_wait3A_77 : memref<1x80x128xi32, #tpu.memory_space<hbm>> -> memref<80x128xi32, #tpu.memory_space<hbm>>
        %dma_wait3A_79 = arith.constant 0 : i32
        %dma_wait3A_80 = arith.constant 0 : i32
        %dma_wait3A_81 = tpu.memref_slice %arg4[%arg1, %dma_wait3A_79, %dma_wait3A_80] : memref<16x80x128xi32, #tpu.memory_space<hbm>> -> memref<1x80x128xi32, #tpu.memory_space<hbm>>
        %dma_wait3A_82 = tpu.memref_squeeze %dma_wait3A_81 : memref<1x80x128xi32, #tpu.memory_space<hbm>> -> memref<80x128xi32, #tpu.memory_space<hbm>>
        tpu.wait_dma2 semaphore(%run_scoped3A : memref<!tpu.dma_semaphore, #tpu.memory_space<semaphore_mem>>) src(%dma_wait3A_82 : memref<80x128xi32, #tpu.memory_space<hbm>>) dst(%arg8 : memref<80x128xi32, #tpu.memory_space<vmem>>)
        tpu.yield
      }) : () -> ()
      %barrier3A = arith.constant 0 : index
      tpu.barrier barrier_id(%barrier3A)
      %dma_start3A = arith.constant 0 : i32
      %dma_start3A_15 = arith.constant 0 : i32
      %dma_start3A_16 = tpu.memref_slice %arg8[%dma_start3A, %dma_start3A_15] : memref<80x128xi32, #tpu.memory_space<vmem>> -> memref<1x64xi32, #tpu.memory_space<vmem>>
      %dma_start3A_17 = tpu.memref_squeeze %dma_start3A_16 : memref<1x64xi32, #tpu.memory_space<vmem>> -> memref<64xi32, #tpu.memory_space<vmem>>
      %dma_start3A_18 = arith.constant 0 : i32
      %dma_start3A_19 = arith.constant 0 : i32
      %dma_start3A_20 = tpu.memref_slice %arg3[%dma_start3A_18, %dma_start3A_19] : memref<10000x128xf32, #tpu.memory_space<hbm>> -> memref<10000x128xf32, #tpu.memory_space<hbm>>
      tpu.enqueue_indirect_dma source(%dma_start3A_20 : memref<10000x128xf32, #tpu.memory_space<hbm>>) target(%arg9 : memref<64x128xf32, #tpu.memory_space<vmem>>) offsets(%dma_start3A_17 : memref<64xi32, #tpu.memory_space<vmem>>) semaphore(%arg17 : memref<!tpu.dma_semaphore, #tpu.memory_space<semaphore_mem>>)
      %add3A = arith.constant 0 : i32
      %add3A_21 = arith.addi %mul3A_9, %add3A : i32
      %dma_start3A_22 = tpu.memref_slice %arg5[%add3A_21] : memref<163840xi32, #tpu.memory_space<hbm>> -> memref<64xi32, #tpu.memory_space<hbm>>
      %dma_start3A_23 = tpu.memref_slice %arg5[%add3A_21] : memref<163840xi32, #tpu.memory_space<hbm>> -> memref<64xi32, #tpu.memory_space<hbm>>
      tpu.enqueue_dma source(%dma_start3A_23 : memref<64xi32, #tpu.memory_space<hbm>>) target(%arg13 : memref<64xi32, #tpu.memory_space<vmem>>) target_semaphore(%arg21 : memref<!tpu.dma_semaphore, #tpu.memory_space<semaphore_mem>>)
      %dma_start3A_24 = arith.constant 0 : i32
      %dma_start3A_25 = arith.constant 64 : i32
      %dma_start3A_26 = tpu.memref_slice %arg8[%dma_start3A_24, %dma_start3A_25] : memref<80x128xi32, #tpu.memory_space<vmem>> -> memref<1x64xi32, #tpu.memory_space<vmem>>
      %dma_start3A_27 = tpu.memref_squeeze %dma_start3A_26 : memref<1x64xi32, #tpu.memory_space<vmem>> -> memref<64xi32, #tpu.memory_space<vmem>>
      %dma_start3A_28 = arith.constant 0 : i32
      %dma_start3A_29 = arith.constant 0 : i32
      %dma_start3A_30 = tpu.memref_slice %arg3[%dma_start3A_28, %dma_start3A_29] : memref<10000x128xf32, #tpu.memory_space<hbm>> -> memref<10000x128xf32, #tpu.memory_space<hbm>>
      tpu.enqueue_indirect_dma source(%dma_start3A_30 : memref<10000x128xf32, #tpu.memory_space<hbm>>) target(%arg10 : memref<64x128xf32, #tpu.memory_space<vmem>>) offsets(%dma_start3A_27 : memref<64xi32, #tpu.memory_space<vmem>>) semaphore(%arg18 : memref<!tpu.dma_semaphore, #tpu.memory_space<semaphore_mem>>)
      %add3A_31 = arith.constant 64 : i32
      %add3A_32 = arith.addi %mul3A_9, %add3A_31 : i32
      %dma_start3A_33 = tpu.memref_slice %arg5[%add3A_32] : memref<163840xi32, #tpu.memory_space<hbm>> -> memref<64xi32, #tpu.memory_space<hbm>>
      %dma_start3A_34 = tpu.memref_slice %arg5[%add3A_32] : memref<163840xi32, #tpu.memory_space<hbm>> -> memref<64xi32, #tpu.memory_space<hbm>>
      tpu.enqueue_dma source(%dma_start3A_34 : memref<64xi32, #tpu.memory_space<hbm>>) target(%arg14 : memref<64xi32, #tpu.memory_space<vmem>>) target_semaphore(%arg22 : memref<!tpu.dma_semaphore, #tpu.memory_space<semaphore_mem>>)
      %dma_start3A_35 = arith.constant 1 : i32
      %dma_start3A_36 = arith.constant 0 : i32
      %dma_start3A_37 = tpu.memref_slice %arg8[%dma_start3A_35, %dma_start3A_36] : memref<80x128xi32, #tpu.memory_space<vmem>> -> memref<1x64xi32, #tpu.memory_space<vmem>>
      %dma_start3A_38 = tpu.memref_squeeze %dma_start3A_37 : memref<1x64xi32, #tpu.memory_space<vmem>> -> memref<64xi32, #tpu.memory_space<vmem>>
      %dma_start3A_39 = arith.constant 0 : i32
      %dma_start3A_40 = arith.constant 0 : i32
      %dma_start3A_41 = tpu.memref_slice %arg3[%dma_start3A_39, %dma_start3A_40] : memref<10000x128xf32, #tpu.memory_space<hbm>> -> memref<10000x128xf32, #tpu.memory_space<hbm>>
      tpu.enqueue_indirect_dma source(%dma_start3A_41 : memref<10000x128xf32, #tpu.memory_space<hbm>>) target(%arg11 : memref<64x128xf32, #tpu.memory_space<vmem>>) offsets(%dma_start3A_38 : memref<64xi32, #tpu.memory_space<vmem>>) semaphore(%arg19 : memref<!tpu.dma_semaphore, #tpu.memory_space<semaphore_mem>>)
      %add3A_42 = arith.constant 128 : i32
      %add3A_43 = arith.addi %mul3A_9, %add3A_42 : i32
      %dma_start3A_44 = tpu.memref_slice %arg5[%add3A_43] : memref<163840xi32, #tpu.memory_space<hbm>> -> memref<64xi32, #tpu.memory_space<hbm>>
      %dma_start3A_45 = tpu.memref_slice %arg5[%add3A_43] : memref<163840xi32, #tpu.memory_space<hbm>> -> memref<64xi32, #tpu.memory_space<hbm>>
      tpu.enqueue_dma source(%dma_start3A_45 : memref<64xi32, #tpu.memory_space<hbm>>) target(%arg15 : memref<64xi32, #tpu.memory_space<vmem>>) target_semaphore(%arg23 : memref<!tpu.dma_semaphore, #tpu.memory_space<semaphore_mem>>)
      %dma_start3A_46 = arith.constant 1 : i32
      %dma_start3A_47 = arith.constant 64 : i32
      %dma_start3A_48 = tpu.memref_slice %arg8[%dma_start3A_46, %dma_start3A_47] : memref<80x128xi32, #tpu.memory_space<vmem>> -> memref<1x64xi32, #tpu.memory_space<vmem>>
      %dma_start3A_49 = tpu.memref_squeeze %dma_start3A_48 : memref<1x64xi32, #tpu.memory_space<vmem>> -> memref<64xi32, #tpu.memory_space<vmem>>
      %dma_start3A_50 = arith.constant 0 : i32
      %dma_start3A_51 = arith.constant 0 : i32
      %dma_start3A_52 = tpu.memref_slice %arg3[%dma_start3A_50, %dma_start3A_51] : memref<10000x128xf32, #tpu.memory_space<hbm>> -> memref<10000x128xf32, #tpu.memory_space<hbm>>
      tpu.enqueue_indirect_dma source(%dma_start3A_52 : memref<10000x128xf32, #tpu.memory_space<hbm>>) target(%arg12 : memref<64x128xf32, #tpu.memory_space<vmem>>) offsets(%dma_start3A_49 : memref<64xi32, #tpu.memory_space<vmem>>) semaphore(%arg20 : memref<!tpu.dma_semaphore, #tpu.memory_space<semaphore_mem>>)
      %add3A_53 = arith.constant 192 : i32
      %add3A_54 = arith.addi %mul3A_9, %add3A_53 : i32
      %dma_start3A_55 = tpu.memref_slice %arg5[%add3A_54] : memref<163840xi32, #tpu.memory_space<hbm>> -> memref<64xi32, #tpu.memory_space<hbm>>
      %dma_start3A_56 = tpu.memref_slice %arg5[%add3A_54] : memref<163840xi32, #tpu.memory_space<hbm>> -> memref<64xi32, #tpu.memory_space<hbm>>
      tpu.enqueue_dma source(%dma_start3A_56 : memref<64xi32, #tpu.memory_space<hbm>>) target(%arg16 : memref<64xi32, #tpu.memory_space<vmem>>) target_semaphore(%arg24 : memref<!tpu.dma_semaphore, #tpu.memory_space<semaphore_mem>>)
      %scan3A = arith.constant 0 : i32
      %scan3A_57 = arith.constant 0 : i32
      %scan3A_58 = arith.constant 40 : i32
      %scan3A_59 = arith.addi %scan3A_57, %scan3A_58 : i32
      %scan3A_60 = arith.constant 1 : i32
      scf.for %scan3A_68 = %scan3A_57 to %scan3A_59 step %scan3A_60  : i32 {
        %mul3A_69 = arith.constant 4 : i32
        %mul3A_70 = arith.muli %scan3A_68, %mul3A_69 : i32
        %add3A_71 = arith.constant 0 : i32
        %add3A_72 = arith.addi %mul3A_70, %add3A_71 : i32
        %mul3A_73 = arith.constant 2 : i32
        %mul3A_74 = arith.muli %scan3A_68, %mul3A_73 : i32
        %add3A_75 = arith.constant 0 : i32
        %add3A_76 = arith.addi %mul3A_74, %add3A_75 : i32
        %dma_wait3A = arith.constant 0 : i32
        %dma_wait3A_77 = tpu.memref_slice %arg8[%add3A_76, %dma_wait3A] : memref<80x128xi32, #tpu.memory_space<vmem>> -> memref<1x64xi32, #tpu.memory_space<vmem>>
        %dma_wait3A_78 = tpu.memref_squeeze %dma_wait3A_77 : memref<1x64xi32, #tpu.memory_space<vmem>> -> memref<64xi32, #tpu.memory_space<vmem>>
        %dma_wait3A_79 = arith.constant 0 : i32
        %dma_wait3A_80 = arith.constant 0 : i32
        %dma_wait3A_81 = tpu.memref_slice %arg3[%dma_wait3A_79, %dma_wait3A_80] : memref<10000x128xf32, #tpu.memory_space<hbm>> -> memref<10000x128xf32, #tpu.memory_space<hbm>>
        tpu.wait_indirect_dma semaphore(%arg17 : memref<!tpu.dma_semaphore, #tpu.memory_space<semaphore_mem>>) src(%dma_wait3A_81 : memref<10000x128xf32, #tpu.memory_space<hbm>>) dst(%arg9 : memref<64x128xf32, #tpu.memory_space<vmem>>)
        %mul3A_82 = arith.constant 64 : i32
        %mul3A_83 = arith.muli %add3A_72, %mul3A_82 : i32
        %add3A_84 = arith.addi %mul3A_9, %mul3A_83 : i32
        %dma_wait3A_85 = tpu.memref_slice %arg5[%add3A_84] : memref<163840xi32, #tpu.memory_space<hbm>> -> memref<64xi32, #tpu.memory_space<hbm>>
        %dma_wait3A_86 = tpu.memref_slice %arg5[%add3A_84] : memref<163840xi32, #tpu.memory_space<hbm>> -> memref<64xi32, #tpu.memory_space<hbm>>
        tpu.wait_dma2 semaphore(%arg21 : memref<!tpu.dma_semaphore, #tpu.memory_space<semaphore_mem>>) src(%dma_wait3A_86 : memref<64xi32, #tpu.memory_space<hbm>>) dst(%arg13 : memref<64xi32, #tpu.memory_space<vmem>>)
        "tpu.region"() ({
          %run_scoped3A = tpu.sem_alloc : memref<!tpu.dma_semaphore, #tpu.memory_space<semaphore_mem>>
          %dma_start3A_165 = arith.constant 0 : i32
          %dma_start3A_166 = arith.constant 0 : i32
          %dma_start3A_167 = tpu.memref_slice %arg7[%dma_start3A_165, %dma_start3A_166] : memref<10008x128xf32, #tpu.memory_space<vmem_shared>> -> memref<10008x128xf32, #tpu.memory_space<vmem_shared>>
          tpu.enqueue_indirect_dma source(%arg9 : memref<64x128xf32, #tpu.memory_space<vmem>>) target(%dma_start3A_167 : memref<10008x128xf32, #tpu.memory_space<vmem_shared>>) offsets(%arg13 : memref<64xi32, #tpu.memory_space<vmem>>) semaphore(%run_scoped3A : memref<!tpu.dma_semaphore, #tpu.memory_space<semaphore_mem>>) {add = true}
          %dma_wait3A_168 = arith.constant 0 : i32
          %dma_wait3A_169 = arith.constant 0 : i32
          %dma_wait3A_170 = tpu.memref_slice %arg7[%dma_wait3A_168, %dma_wait3A_169] : memref<10008x128xf32, #tpu.memory_space<vmem_shared>> -> memref<10008x128xf32, #tpu.memory_space<vmem_shared>>
          tpu.wait_indirect_dma semaphore(%run_scoped3A : memref<!tpu.dma_semaphore, #tpu.memory_space<semaphore_mem>>) src(%arg9 : memref<64x128xf32, #tpu.memory_space<vmem>>) dst(%dma_wait3A_170 : memref<10008x128xf32, #tpu.memory_space<vmem_shared>>)
          tpu.yield
        }) : () -> ()
        %add3A_87 = arith.constant 4 : i32
        %add3A_88 = arith.addi %add3A_72, %add3A_87 : i32
        %lt3A = arith.constant 160 : i32
        %lt3A_89 = arith.cmpi slt, %add3A_88, %lt3A : i32
        %convert_element_type3A_90 = arith.extui %lt3A_89 : i1 to i32
        %cond3A_91 = arith.constant 0 : i32
        %cond3A_92 = arith.cmpi ne, %convert_element_type3A_90, %cond3A_91 : i32
        scf.if %cond3A_92 {
          %add3A_165 = arith.constant 2 : i32
          %add3A_166 = arith.addi %add3A_76, %add3A_165 : i32
          %dma_start3A_167 = arith.constant 0 : i32
          %dma_start3A_168 = tpu.memref_slice %arg8[%add3A_166, %dma_start3A_167] : memref<80x128xi32, #tpu.memory_space<vmem>> -> memref<1x64xi32, #tpu.memory_space<vmem>>
          %dma_start3A_169 = tpu.memref_squeeze %dma_start3A_168 : memref<1x64xi32, #tpu.memory_space<vmem>> -> memref<64xi32, #tpu.memory_space<vmem>>
          %dma_start3A_170 = arith.constant 0 : i32
          %dma_start3A_171 = arith.constant 0 : i32
          %dma_start3A_172 = tpu.memref_slice %arg3[%dma_start3A_170, %dma_start3A_171] : memref<10000x128xf32, #tpu.memory_space<hbm>> -> memref<10000x128xf32, #tpu.memory_space<hbm>>
          tpu.enqueue_indirect_dma source(%dma_start3A_172 : memref<10000x128xf32, #tpu.memory_space<hbm>>) target(%arg9 : memref<64x128xf32, #tpu.memory_space<vmem>>) offsets(%dma_start3A_169 : memref<64xi32, #tpu.memory_space<vmem>>) semaphore(%arg17 : memref<!tpu.dma_semaphore, #tpu.memory_space<semaphore_mem>>)
          %add3A_173 = arith.constant 4 : i32
          %add3A_174 = arith.addi %add3A_72, %add3A_173 : i32
          %mul3A_175 = arith.constant 64 : i32
          %mul3A_176 = arith.muli %add3A_174, %mul3A_175 : i32
          %add3A_177 = arith.addi %mul3A_9, %mul3A_176 : i32
          %dma_start3A_178 = tpu.memref_slice %arg5[%add3A_177] : memref<163840xi32, #tpu.memory_space<hbm>> -> memref<64xi32, #tpu.memory_space<hbm>>
          %dma_start3A_179 = tpu.memref_slice %arg5[%add3A_177] : memref<163840xi32, #tpu.memory_space<hbm>> -> memref<64xi32, #tpu.memory_space<hbm>>
          tpu.enqueue_dma source(%dma_start3A_179 : memref<64xi32, #tpu.memory_space<hbm>>) target(%arg13 : memref<64xi32, #tpu.memory_space<vmem>>) target_semaphore(%arg21 : memref<!tpu.dma_semaphore, #tpu.memory_space<semaphore_mem>>)
        } else {
        }
        %add3A_93 = arith.constant 1 : i32
        %add3A_94 = arith.addi %mul3A_70, %add3A_93 : i32
        %mul3A_95 = arith.constant 2 : i32
        %mul3A_96 = arith.muli %scan3A_68, %mul3A_95 : i32
        %add3A_97 = arith.constant 0 : i32
        %add3A_98 = arith.addi %mul3A_96, %add3A_97 : i32
        %dma_wait3A_99 = arith.constant 64 : i32
        %dma_wait3A_100 = tpu.memref_slice %arg8[%add3A_98, %dma_wait3A_99] : memref<80x128xi32, #tpu.memory_space<vmem>> -> memref<1x64xi32, #tpu.memory_space<vmem>>
        %dma_wait3A_101 = tpu.memref_squeeze %dma_wait3A_100 : memref<1x64xi32, #tpu.memory_space<vmem>> -> memref<64xi32, #tpu.memory_space<vmem>>
        %dma_wait3A_102 = arith.constant 0 : i32
        %dma_wait3A_103 = arith.constant 0 : i32
        %dma_wait3A_104 = tpu.memref_slice %arg3[%dma_wait3A_102, %dma_wait3A_103] : memref<10000x128xf32, #tpu.memory_space<hbm>> -> memref<10000x128xf32, #tpu.memory_space<hbm>>
        tpu.wait_indirect_dma semaphore(%arg18 : memref<!tpu.dma_semaphore, #tpu.memory_space<semaphore_mem>>) src(%dma_wait3A_104 : memref<10000x128xf32, #tpu.memory_space<hbm>>) dst(%arg10 : memref<64x128xf32, #tpu.memory_space<vmem>>)
        %mul3A_105 = arith.constant 64 : i32
        %mul3A_106 = arith.muli %add3A_94, %mul3A_105 : i32
        %add3A_107 = arith.addi %mul3A_9, %mul3A_106 : i32
        %dma_wait3A_108 = tpu.memref_slice %arg5[%add3A_107] : memref<163840xi32, #tpu.memory_space<hbm>> -> memref<64xi32, #tpu.memory_space<hbm>>
        %dma_wait3A_109 = tpu.memref_slice %arg5[%add3A_107] : memref<163840xi32, #tpu.memory_space<hbm>> -> memref<64xi32, #tpu.memory_space<hbm>>
        tpu.wait_dma2 semaphore(%arg22 : memref<!tpu.dma_semaphore, #tpu.memory_space<semaphore_mem>>) src(%dma_wait3A_109 : memref<64xi32, #tpu.memory_space<hbm>>) dst(%arg14 : memref<64xi32, #tpu.memory_space<vmem>>)
        "tpu.region"() ({
          %run_scoped3A = tpu.sem_alloc : memref<!tpu.dma_semaphore, #tpu.memory_space<semaphore_mem>>
          %dma_start3A_165 = arith.constant 0 : i32
          %dma_start3A_166 = arith.constant 0 : i32
          %dma_start3A_167 = tpu.memref_slice %arg7[%dma_start3A_165, %dma_start3A_166] : memref<10008x128xf32, #tpu.memory_space<vmem_shared>> -> memref<10008x128xf32, #tpu.memory_space<vmem_shared>>
          tpu.enqueue_indirect_dma source(%arg10 : memref<64x128xf32, #tpu.memory_space<vmem>>) target(%dma_start3A_167 : memref<10008x128xf32, #tpu.memory_space<vmem_shared>>) offsets(%arg14 : memref<64xi32, #tpu.memory_space<vmem>>) semaphore(%run_scoped3A : memref<!tpu.dma_semaphore, #tpu.memory_space<semaphore_mem>>) {add = true}
          %dma_wait3A_168 = arith.constant 0 : i32
          %dma_wait3A_169 = arith.constant 0 : i32
          %dma_wait3A_170 = tpu.memref_slice %arg7[%dma_wait3A_168, %dma_wait3A_169] : memref<10008x128xf32, #tpu.memory_space<vmem_shared>> -> memref<10008x128xf32, #tpu.memory_space<vmem_shared>>
          tpu.wait_indirect_dma semaphore(%run_scoped3A : memref<!tpu.dma_semaphore, #tpu.memory_space<semaphore_mem>>) src(%arg10 : memref<64x128xf32, #tpu.memory_space<vmem>>) dst(%dma_wait3A_170 : memref<10008x128xf32, #tpu.memory_space<vmem_shared>>)
          tpu.yield
        }) : () -> ()
        %add3A_110 = arith.constant 4 : i32
        %add3A_111 = arith.addi %add3A_94, %add3A_110 : i32
        %lt3A_112 = arith.constant 160 : i32
        %lt3A_113 = arith.cmpi slt, %add3A_111, %lt3A_112 : i32
        %convert_element_type3A_114 = arith.extui %lt3A_113 : i1 to i32
        %cond3A_115 = arith.constant 0 : i32
        %cond3A_116 = arith.cmpi ne, %convert_element_type3A_114, %cond3A_115 : i32
        scf.if %cond3A_116 {
          %add3A_165 = arith.constant 2 : i32
          %add3A_166 = arith.addi %add3A_98, %add3A_165 : i32
          %dma_start3A_167 = arith.constant 64 : i32
          %dma_start3A_168 = tpu.memref_slice %arg8[%add3A_166, %dma_start3A_167] : memref<80x128xi32, #tpu.memory_space<vmem>> -> memref<1x64xi32, #tpu.memory_space<vmem>>
          %dma_start3A_169 = tpu.memref_squeeze %dma_start3A_168 : memref<1x64xi32, #tpu.memory_space<vmem>> -> memref<64xi32, #tpu.memory_space<vmem>>
          %dma_start3A_170 = arith.constant 0 : i32
          %dma_start3A_171 = arith.constant 0 : i32
          %dma_start3A_172 = tpu.memref_slice %arg3[%dma_start3A_170, %dma_start3A_171] : memref<10000x128xf32, #tpu.memory_space<hbm>> -> memref<10000x128xf32, #tpu.memory_space<hbm>>
          tpu.enqueue_indirect_dma source(%dma_start3A_172 : memref<10000x128xf32, #tpu.memory_space<hbm>>) target(%arg10 : memref<64x128xf32, #tpu.memory_space<vmem>>) offsets(%dma_start3A_169 : memref<64xi32, #tpu.memory_space<vmem>>) semaphore(%arg18 : memref<!tpu.dma_semaphore, #tpu.memory_space<semaphore_mem>>)
          %add3A_173 = arith.constant 4 : i32
          %add3A_174 = arith.addi %add3A_94, %add3A_173 : i32
          %mul3A_175 = arith.constant 64 : i32
          %mul3A_176 = arith.muli %add3A_174, %mul3A_175 : i32
          %add3A_177 = arith.addi %mul3A_9, %mul3A_176 : i32
          %dma_start3A_178 = tpu.memref_slice %arg5[%add3A_177] : memref<163840xi32, #tpu.memory_space<hbm>> -> memref<64xi32, #tpu.memory_space<hbm>>
          %dma_start3A_179 = tpu.memref_slice %arg5[%add3A_177] : memref<163840xi32, #tpu.memory_space<hbm>> -> memref<64xi32, #tpu.memory_space<hbm>>
          tpu.enqueue_dma source(%dma_start3A_179 : memref<64xi32, #tpu.memory_space<hbm>>) target(%arg14 : memref<64xi32, #tpu.memory_space<vmem>>) target_semaphore(%arg22 : memref<!tpu.dma_semaphore, #tpu.memory_space<semaphore_mem>>)
        } else {
        }
        %add3A_117 = arith.constant 2 : i32
        %add3A_118 = arith.addi %mul3A_70, %add3A_117 : i32
        %mul3A_119 = arith.constant 2 : i32
        %mul3A_120 = arith.muli %scan3A_68, %mul3A_119 : i32
        %add3A_121 = arith.constant 1 : i32
        %add3A_122 = arith.addi %mul3A_120, %add3A_121 : i32
        %dma_wait3A_123 = arith.constant 0 : i32
        %dma_wait3A_124 = tpu.memref_slice %arg8[%add3A_122, %dma_wait3A_123] : memref<80x128xi32, #tpu.memory_space<vmem>> -> memref<1x64xi32, #tpu.memory_space<vmem>>
        %dma_wait3A_125 = tpu.memref_squeeze %dma_wait3A_124 : memref<1x64xi32, #tpu.memory_space<vmem>> -> memref<64xi32, #tpu.memory_space<vmem>>
        %dma_wait3A_126 = arith.constant 0 : i32
        %dma_wait3A_127 = arith.constant 0 : i32
        %dma_wait3A_128 = tpu.memref_slice %arg3[%dma_wait3A_126, %dma_wait3A_127] : memref<10000x128xf32, #tpu.memory_space<hbm>> -> memref<10000x128xf32, #tpu.memory_space<hbm>>
        tpu.wait_indirect_dma semaphore(%arg19 : memref<!tpu.dma_semaphore, #tpu.memory_space<semaphore_mem>>) src(%dma_wait3A_128 : memref<10000x128xf32, #tpu.memory_space<hbm>>) dst(%arg11 : memref<64x128xf32, #tpu.memory_space<vmem>>)
        %mul3A_129 = arith.constant 64 : i32
        %mul3A_130 = arith.muli %add3A_118, %mul3A_129 : i32
        %add3A_131 = arith.addi %mul3A_9, %mul3A_130 : i32
        %dma_wait3A_132 = tpu.memref_slice %arg5[%add3A_131] : memref<163840xi32, #tpu.memory_space<hbm>> -> memref<64xi32, #tpu.memory_space<hbm>>
        %dma_wait3A_133 = tpu.memref_slice %arg5[%add3A_131] : memref<163840xi32, #tpu.memory_space<hbm>> -> memref<64xi32, #tpu.memory_space<hbm>>
        tpu.wait_dma2 semaphore(%arg23 : memref<!tpu.dma_semaphore, #tpu.memory_space<semaphore_mem>>) src(%dma_wait3A_133 : memref<64xi32, #tpu.memory_space<hbm>>) dst(%arg15 : memref<64xi32, #tpu.memory_space<vmem>>)
        "tpu.region"() ({
          %run_scoped3A = tpu.sem_alloc : memref<!tpu.dma_semaphore, #tpu.memory_space<semaphore_mem>>
          %dma_start3A_165 = arith.constant 0 : i32
          %dma_start3A_166 = arith.constant 0 : i32
          %dma_start3A_167 = tpu.memref_slice %arg7[%dma_start3A_165, %dma_start3A_166] : memref<10008x128xf32, #tpu.memory_space<vmem_shared>> -> memref<10008x128xf32, #tpu.memory_space<vmem_shared>>
          tpu.enqueue_indirect_dma source(%arg11 : memref<64x128xf32, #tpu.memory_space<vmem>>) target(%dma_start3A_167 : memref<10008x128xf32, #tpu.memory_space<vmem_shared>>) offsets(%arg15 : memref<64xi32, #tpu.memory_space<vmem>>) semaphore(%run_scoped3A : memref<!tpu.dma_semaphore, #tpu.memory_space<semaphore_mem>>) {add = true}
          %dma_wait3A_168 = arith.constant 0 : i32
          %dma_wait3A_169 = arith.constant 0 : i32
          %dma_wait3A_170 = tpu.memref_slice %arg7[%dma_wait3A_168, %dma_wait3A_169] : memref<10008x128xf32, #tpu.memory_space<vmem_shared>> -> memref<10008x128xf32, #tpu.memory_space<vmem_shared>>
          tpu.wait_indirect_dma semaphore(%run_scoped3A : memref<!tpu.dma_semaphore, #tpu.memory_space<semaphore_mem>>) src(%arg11 : memref<64x128xf32, #tpu.memory_space<vmem>>) dst(%dma_wait3A_170 : memref<10008x128xf32, #tpu.memory_space<vmem_shared>>)
          tpu.yield
        }) : () -> ()
        %add3A_134 = arith.constant 4 : i32
        %add3A_135 = arith.addi %add3A_118, %add3A_134 : i32
        %lt3A_136 = arith.constant 160 : i32
        %lt3A_137 = arith.cmpi slt, %add3A_135, %lt3A_136 : i32
        %convert_element_type3A_138 = arith.extui %lt3A_137 : i1 to i32
        %cond3A_139 = arith.constant 0 : i32
        %cond3A_140 = arith.cmpi ne, %convert_element_type3A_138, %cond3A_139 : i32
        scf.if %cond3A_140 {
          %add3A_165 = arith.constant 2 : i32
          %add3A_166 = arith.addi %add3A_122, %add3A_165 : i32
          %dma_start3A_167 = arith.constant 0 : i32
          %dma_start3A_168 = tpu.memref_slice %arg8[%add3A_166, %dma_start3A_167] : memref<80x128xi32, #tpu.memory_space<vmem>> -> memref<1x64xi32, #tpu.memory_space<vmem>>
          %dma_start3A_169 = tpu.memref_squeeze %dma_start3A_168 : memref<1x64xi32, #tpu.memory_space<vmem>> -> memref<64xi32, #tpu.memory_space<vmem>>
          %dma_start3A_170 = arith.constant 0 : i32
          %dma_start3A_171 = arith.constant 0 : i32
          %dma_start3A_172 = tpu.memref_slice %arg3[%dma_start3A_170, %dma_start3A_171] : memref<10000x128xf32, #tpu.memory_space<hbm>> -> memref<10000x128xf32, #tpu.memory_space<hbm>>
          tpu.enqueue_indirect_dma source(%dma_start3A_172 : memref<10000x128xf32, #tpu.memory_space<hbm>>) target(%arg11 : memref<64x128xf32, #tpu.memory_space<vmem>>) offsets(%dma_start3A_169 : memref<64xi32, #tpu.memory_space<vmem>>) semaphore(%arg19 : memref<!tpu.dma_semaphore, #tpu.memory_space<semaphore_mem>>)
          %add3A_173 = arith.constant 4 : i32
          %add3A_174 = arith.addi %add3A_118, %add3A_173 : i32
          %mul3A_175 = arith.constant 64 : i32
          %mul3A_176 = arith.muli %add3A_174, %mul3A_175 : i32
          %add3A_177 = arith.addi %mul3A_9, %mul3A_176 : i32
          %dma_start3A_178 = tpu.memref_slice %arg5[%add3A_177] : memref<163840xi32, #tpu.memory_space<hbm>> -> memref<64xi32, #tpu.memory_space<hbm>>
          %dma_start3A_179 = tpu.memref_slice %arg5[%add3A_177] : memref<163840xi32, #tpu.memory_space<hbm>> -> memref<64xi32, #tpu.memory_space<hbm>>
          tpu.enqueue_dma source(%dma_start3A_179 : memref<64xi32, #tpu.memory_space<hbm>>) target(%arg15 : memref<64xi32, #tpu.memory_space<vmem>>) target_semaphore(%arg23 : memref<!tpu.dma_semaphore, #tpu.memory_space<semaphore_mem>>)
        } else {
        }
        %add3A_141 = arith.constant 3 : i32
        %add3A_142 = arith.addi %mul3A_70, %add3A_141 : i32
        %mul3A_143 = arith.constant 2 : i32
        %mul3A_144 = arith.muli %scan3A_68, %mul3A_143 : i32
        %add3A_145 = arith.constant 1 : i32
        %add3A_146 = arith.addi %mul3A_144, %add3A_145 : i32
        %dma_wait3A_147 = arith.constant 64 : i32
        %dma_wait3A_148 = tpu.memref_slice %arg8[%add3A_146, %dma_wait3A_147] : memref<80x128xi32, #tpu.memory_space<vmem>> -> memref<1x64xi32, #tpu.memory_space<vmem>>
        %dma_wait3A_149 = tpu.memref_squeeze %dma_wait3A_148 : memref<1x64xi32, #tpu.memory_space<vmem>> -> memref<64xi32, #tpu.memory_space<vmem>>
        %dma_wait3A_150 = arith.constant 0 : i32
        %dma_wait3A_151 = arith.constant 0 : i32
        %dma_wait3A_152 = tpu.memref_slice %arg3[%dma_wait3A_150, %dma_wait3A_151] : memref<10000x128xf32, #tpu.memory_space<hbm>> -> memref<10000x128xf32, #tpu.memory_space<hbm>>
        tpu.wait_indirect_dma semaphore(%arg20 : memref<!tpu.dma_semaphore, #tpu.memory_space<semaphore_mem>>) src(%dma_wait3A_152 : memref<10000x128xf32, #tpu.memory_space<hbm>>) dst(%arg12 : memref<64x128xf32, #tpu.memory_space<vmem>>)
        %mul3A_153 = arith.constant 64 : i32
        %mul3A_154 = arith.muli %add3A_142, %mul3A_153 : i32
        %add3A_155 = arith.addi %mul3A_9, %mul3A_154 : i32
        %dma_wait3A_156 = tpu.memref_slice %arg5[%add3A_155] : memref<163840xi32, #tpu.memory_space<hbm>> -> memref<64xi32, #tpu.memory_space<hbm>>
        %dma_wait3A_157 = tpu.memref_slice %arg5[%add3A_155] : memref<163840xi32, #tpu.memory_space<hbm>> -> memref<64xi32, #tpu.memory_space<hbm>>
        tpu.wait_dma2 semaphore(%arg24 : memref<!tpu.dma_semaphore, #tpu.memory_space<semaphore_mem>>) src(%dma_wait3A_157 : memref<64xi32, #tpu.memory_space<hbm>>) dst(%arg16 : memref<64xi32, #tpu.memory_space<vmem>>)
        "tpu.region"() ({
          %run_scoped3A = tpu.sem_alloc : memref<!tpu.dma_semaphore, #tpu.memory_space<semaphore_mem>>
          %dma_start3A_165 = arith.constant 0 : i32
          %dma_start3A_166 = arith.constant 0 : i32
          %dma_start3A_167 = tpu.memref_slice %arg7[%dma_start3A_165, %dma_start3A_166] : memref<10008x128xf32, #tpu.memory_space<vmem_shared>> -> memref<10008x128xf32, #tpu.memory_space<vmem_shared>>
          tpu.enqueue_indirect_dma source(%arg12 : memref<64x128xf32, #tpu.memory_space<vmem>>) target(%dma_start3A_167 : memref<10008x128xf32, #tpu.memory_space<vmem_shared>>) offsets(%arg16 : memref<64xi32, #tpu.memory_space<vmem>>) semaphore(%run_scoped3A : memref<!tpu.dma_semaphore, #tpu.memory_space<semaphore_mem>>) {add = true}
          %dma_wait3A_168 = arith.constant 0 : i32
          %dma_wait3A_169 = arith.constant 0 : i32
          %dma_wait3A_170 = tpu.memref_slice %arg7[%dma_wait3A_168, %dma_wait3A_169] : memref<10008x128xf32, #tpu.memory_space<vmem_shared>> -> memref<10008x128xf32, #tpu.memory_space<vmem_shared>>
          tpu.wait_indirect_dma semaphore(%run_scoped3A : memref<!tpu.dma_semaphore, #tpu.memory_space<semaphore_mem>>) src(%arg12 : memref<64x128xf32, #tpu.memory_space<vmem>>) dst(%dma_wait3A_170 : memref<10008x128xf32, #tpu.memory_space<vmem_shared>>)
          tpu.yield
        }) : () -> ()
        %add3A_158 = arith.constant 4 : i32
        %add3A_159 = arith.addi %add3A_142, %add3A_158 : i32
        %lt3A_160 = arith.constant 160 : i32
        %lt3A_161 = arith.cmpi slt, %add3A_159, %lt3A_160 : i32
        %convert_element_type3A_162 = arith.extui %lt3A_161 : i1 to i32
        %cond3A_163 = arith.constant 0 : i32
        %cond3A_164 = arith.cmpi ne, %convert_element_type3A_162, %cond3A_163 : i32
        scf.if %cond3A_164 {
          %add3A_165 = arith.constant 2 : i32
          %add3A_166 = arith.addi %add3A_146, %add3A_165 : i32
          %dma_start3A_167 = arith.constant 64 : i32
          %dma_start3A_168 = tpu.memref_slice %arg8[%add3A_166, %dma_start3A_167] : memref<80x128xi32, #tpu.memory_space<vmem>> -> memref<1x64xi32, #tpu.memory_space<vmem>>
          %dma_start3A_169 = tpu.memref_squeeze %dma_start3A_168 : memref<1x64xi32, #tpu.memory_space<vmem>> -> memref<64xi32, #tpu.memory_space<vmem>>
          %dma_start3A_170 = arith.constant 0 : i32
          %dma_start3A_171 = arith.constant 0 : i32
          %dma_start3A_172 = tpu.memref_slice %arg3[%dma_start3A_170, %dma_start3A_171] : memref<10000x128xf32, #tpu.memory_space<hbm>> -> memref<10000x128xf32, #tpu.memory_space<hbm>>
          tpu.enqueue_indirect_dma source(%dma_start3A_172 : memref<10000x128xf32, #tpu.memory_space<hbm>>) target(%arg12 : memref<64x128xf32, #tpu.memory_space<vmem>>) offsets(%dma_start3A_169 : memref<64xi32, #tpu.memory_space<vmem>>) semaphore(%arg20 : memref<!tpu.dma_semaphore, #tpu.memory_space<semaphore_mem>>)
          %add3A_173 = arith.constant 4 : i32
          %add3A_174 = arith.addi %add3A_142, %add3A_173 : i32
          %mul3A_175 = arith.constant 64 : i32
          %mul3A_176 = arith.muli %add3A_174, %mul3A_175 : i32
          %add3A_177 = arith.addi %mul3A_9, %mul3A_176 : i32
          %dma_start3A_178 = tpu.memref_slice %arg5[%add3A_177] : memref<163840xi32, #tpu.memory_space<hbm>> -> memref<64xi32, #tpu.memory_space<hbm>>
          %dma_start3A_179 = tpu.memref_slice %arg5[%add3A_177] : memref<163840xi32, #tpu.memory_space<hbm>> -> memref<64xi32, #tpu.memory_space<hbm>>
          tpu.enqueue_dma source(%dma_start3A_179 : memref<64xi32, #tpu.memory_space<hbm>>) target(%arg16 : memref<64xi32, #tpu.memory_space<vmem>>) target_semaphore(%arg24 : memref<!tpu.dma_semaphore, #tpu.memory_space<semaphore_mem>>)
        } else {
        }
      }
      %scan3A_61 = arith.constant 40 : i32
      %barrier3A_62 = arith.constant 0 : index
      tpu.barrier barrier_id(%barrier3A_62)
      "tpu.region"() ({
        %run_scoped3A = tpu.sem_alloc : memref<!tpu.dma_semaphore, #tpu.memory_space<semaphore_mem>>
        %dma_start3A_68 = arith.constant 128 : i32
        %dma_start3A_69 = tpu.memref_slice %arg6[%mul3A_7, %dma_start3A_68] : memref<10000x256xf32, #tpu.memory_space<hbm>> -> memref<624x128xf32, #tpu.memory_space<hbm>>
        %dma_start3A_70 = arith.constant 0 : i32
        %dma_start3A_71 = tpu.memref_slice %arg7[%mul3A_7, %dma_start3A_70] : memref<10008x128xf32, #tpu.memory_space<vmem_shared>> -> memref<624x128xf32, #tpu.memory_space<vmem_shared>>
        tpu.enqueue_dma source(%dma_start3A_71 : memref<624x128xf32, #tpu.memory_space<vmem_shared>>) target(%dma_start3A_69 : memref<624x128xf32, #tpu.memory_space<hbm>>) target_semaphore(%run_scoped3A : memref<!tpu.dma_semaphore, #tpu.memory_space<semaphore_mem>>)
        %dma_wait3A = arith.constant 128 : i32
        %dma_wait3A_72 = tpu.memref_slice %arg6[%mul3A_7, %dma_wait3A] : memref<10000x256xf32, #tpu.memory_space<hbm>> -> memref<624x128xf32, #tpu.memory_space<hbm>>
        %dma_wait3A_73 = arith.constant 0 : i32
        %dma_wait3A_74 = tpu.memref_slice %arg7[%mul3A_7, %dma_wait3A_73] : memref<10008x128xf32, #tpu.memory_space<vmem_shared>> -> memref<624x128xf32, #tpu.memory_space<vmem_shared>>
        tpu.wait_dma2 semaphore(%run_scoped3A : memref<!tpu.dma_semaphore, #tpu.memory_space<semaphore_mem>>) src(%dma_wait3A_74 : memref<624x128xf32, #tpu.memory_space<vmem_shared>>) dst(%dma_wait3A_72 : memref<624x128xf32, #tpu.memory_space<hbm>>)
        tpu.yield
      }) : () -> ()
      %eq3A_63 = arith.constant 15 : i32
      %eq3A_64 = arith.cmpi eq, %arg1, %eq3A_63 : i32
      %convert_element_type3A_65 = arith.extui %eq3A_64 : i1 to i32
      %cond3A_66 = arith.constant 0 : i32
      %cond3A_67 = arith.cmpi ne, %convert_element_type3A_65, %cond3A_66 : i32
      scf.if %cond3A_67 {
        "tpu.region"() ({
          %run_scoped3A = tpu.sem_alloc : memref<!tpu.dma_semaphore, #tpu.memory_space<semaphore_mem>>
          %dma_start3A_68 = arith.constant 9984 : i32
          %dma_start3A_69 = arith.constant 128 : i32
          %dma_start3A_70 = tpu.memref_slice %arg6[%dma_start3A_68, %dma_start3A_69] : memref<10000x256xf32, #tpu.memory_space<hbm>> -> memref<16x128xf32, #tpu.memory_space<hbm>>
          %dma_start3A_71 = arith.constant 9984 : i32
          %dma_start3A_72 = arith.constant 0 : i32
          %dma_start3A_73 = tpu.memref_slice %arg7[%dma_start3A_71, %dma_start3A_72] : memref<10008x128xf32, #tpu.memory_space<vmem_shared>> -> memref<16x128xf32, #tpu.memory_space<vmem_shared>>
          tpu.enqueue_dma source(%dma_start3A_73 : memref<16x128xf32, #tpu.memory_space<vmem_shared>>) target(%dma_start3A_70 : memref<16x128xf32, #tpu.memory_space<hbm>>) target_semaphore(%run_scoped3A : memref<!tpu.dma_semaphore, #tpu.memory_space<semaphore_mem>>)
          %dma_wait3A = arith.constant 9984 : i32
          %dma_wait3A_74 = arith.constant 128 : i32
          %dma_wait3A_75 = tpu.memref_slice %arg6[%dma_wait3A, %dma_wait3A_74] : memref<10000x256xf32, #tpu.memory_space<hbm>> -> memref<16x128xf32, #tpu.memory_space<hbm>>
          %dma_wait3A_76 = arith.constant 9984 : i32
          %dma_wait3A_77 = arith.constant 0 : i32
          %dma_wait3A_78 = tpu.memref_slice %arg7[%dma_wait3A_76, %dma_wait3A_77] : memref<10008x128xf32, #tpu.memory_space<vmem_shared>> -> memref<16x128xf32, #tpu.memory_space<vmem_shared>>
          tpu.wait_dma2 semaphore(%run_scoped3A : memref<!tpu.dma_semaphore, #tpu.memory_space<semaphore_mem>>) src(%dma_wait3A_78 : memref<16x128xf32, #tpu.memory_space<vmem_shared>>) dst(%dma_wait3A_75 : memref<16x128xf32, #tpu.memory_space<hbm>>)
          tpu.yield
        }) : () -> ()
      } else {
      }
    } else {
    }
    return
  }
}

module attributes {stable_mosaic.version = 14 : i64} {
  func.func @_mm_body(%arg0: i32, %arg1: memref<2000x256xf32, #tpu.memory_space<vmem>>, %arg2: memref<256x256xf32, #tpu.memory_space<vmem>>, %arg3: memref<1x256xf32, #tpu.memory_space<vmem>>, %arg4: memref<2000x128xf32, #tpu.memory_space<vmem>>, %arg5: memref<2000x128xf32, #tpu.memory_space<vmem>>) attributes {dimension_semantics = [#tpu.dimension_semantics<arbitrary>], iteration_bounds = array<i64: 5>, scalar_prefetch = 0 : i64, scratch_operands = 0 : i64, tpu.core_type = #tpu.core_type<tc>, window_params = [{transform_indices = @transform_0, window_bounds = array<i64: 2000, 256>}, {pipeline_mode = #tpu.pipeline_mode<synchronous>, transform_indices = @transform_1, window_bounds = array<i64: 256, 256>}, {pipeline_mode = #tpu.pipeline_mode<synchronous>, transform_indices = @transform_2, window_bounds = array<i64: 1, 256>}, {transform_indices = @transform_3, window_bounds = array<i64: 2000, 128>}, {transform_indices = @transform_4, window_bounds = array<i64: 2000, 128>}]} {
    %get3A = arith.constant 0 : index
    %get3A_0 = arith.constant 0 : index
    %get3A_1 = vector.load %arg1[%get3A, %get3A_0] : memref<2000x256xf32, #tpu.memory_space<vmem>>, vector<2000x256xf32>
    %get3A_2 = arith.constant 0 : index
    %get3A_3 = arith.constant 0 : index
    %get3A_4 = vector.load %arg2[%get3A_2, %get3A_3] : memref<256x256xf32, #tpu.memory_space<vmem>>, vector<256x256xf32>
    %dot_general3A = arith.constant dense<0.000000e+00> : vector<2000x256xf32>
    %dot_general3A_5 = tpu.matmul %get3A_1, %get3A_4, %dot_general3A {dimension_numbers = #tpu.dot_dimension_numbers<[1], [0], [0], [1], [0, 0, 1, 1], [], []>, transpose_lhs_hint = false} : vector<2000x256xf32>, vector<256x256xf32>, vector<2000x256xf32> -> vector<2000x256xf32>
    %get3A_6 = arith.constant 0 : index
    %get3A_7 = arith.constant 0 : index
    %get3A_8 = vector.load %arg3[%get3A_6, %get3A_7] : memref<1x256xf32, #tpu.memory_space<vmem>>, vector<1x256xf32>
    %add3A = vector.broadcast %get3A_8 : vector<1x256xf32> to vector<2000x256xf32>
    %add3A_9 = arith.addf %dot_general3A_5, %add3A : vector<2000x256xf32>
    %slice3A = vector.extract_strided_slice %add3A_9 {offsets = [0, 0], sizes = [2000, 128], strides = [1, 1]} : vector<2000x256xf32> to vector<2000x128xf32>
    %swap3A = arith.constant 0 : index
    %swap3A_10 = arith.constant 0 : index
    %swap3A_11 = vector.load %arg4[%swap3A, %swap3A_10] : memref<2000x128xf32, #tpu.memory_space<vmem>>, vector<2000x128xf32>
    tpu.vector_store %arg4[%swap3A, %swap3A_10], %slice3A {strides = array<i32>} : memref<2000x128xf32, #tpu.memory_space<vmem>>, vector<2000x128xf32>,
    %slice3A_12 = vector.extract_strided_slice %add3A_9 {offsets = [0, 128], sizes = [2000, 128], strides = [1, 1]} : vector<2000x256xf32> to vector<2000x128xf32>
    %swap3A_13 = arith.constant 0 : index
    %swap3A_14 = arith.constant 0 : index
    %swap3A_15 = vector.load %arg5[%swap3A_13, %swap3A_14] : memref<2000x128xf32, #tpu.memory_space<vmem>>, vector<2000x128xf32>
    tpu.vector_store %arg5[%swap3A_13, %swap3A_14], %slice3A_12 {strides = array<i32>} : memref<2000x128xf32, #tpu.memory_space<vmem>>, vector<2000x128xf32>,
    return
  }
  func.func @transform_0(%arg0: i32) -> (i32, i32) {
    %c0_i32 = arith.constant 0 : i32
    %c0_i32_0 = arith.constant 0 : i32
    return %arg0, %c0_i32 : i32, i32
  }
  func.func @transform_1(%arg0: i32) -> (i32, i32) {
    %c0_i32 = arith.constant 0 : i32
    %c0_i32_0 = arith.constant 0 : i32
    %c0_i32_1 = arith.constant 0 : i32
    return %c0_i32, %c0_i32_0 : i32, i32
  }
  func.func @transform_2(%arg0: i32) -> (i32, i32) {
    %c0_i32 = arith.constant 0 : i32
    %c0_i32_0 = arith.constant 0 : i32
    %c0_i32_1 = arith.constant 0 : i32
    return %c0_i32, %c0_i32_0 : i32, i32
  }
  func.func @transform_3(%arg0: i32) -> (i32, i32) {
    %c0_i32 = arith.constant 0 : i32
    %c0_i32_0 = arith.constant 0 : i32
    return %arg0, %c0_i32 : i32, i32
  }
  func.func @transform_4(%arg0: i32) -> (i32, i32) {
    %c0_i32 = arith.constant 0 : i32
    %c0_i32_0 = arith.constant 0 : i32
    return %arg0, %c0_i32 : i32, i32
  }
}

</mosaic_0001>

<sc_bundles>
// kernel: kernel.4.cloned.1.call-start
scs
__scs_entry_jumppad:
0x0: {  	(pc) =	sbr.rel $0x88, $3  }
0x1: {  	(tag) =	ssettag $0x0;
	lr =	simm.s32 $0x1  }
0x2: {  	[smem:$0x3F9D] =	sst lr;
	_ =	strace $0xD0000000  }
0x3: {  	_ = 	snop  }
0x4: {  	_ = 	snop  }
0x5: {  	_ = 	snop  }
0x6: {  	_ = 	snop  }
0x7: {  	_ = 	snop  }
__scs_overlays_trampoline_lowered:
0x8: {  	[smem:$0x3FAC] =	sst s0  }
0x9: {  	[smem:$0x3FAD] =	sst s1  }
0xa: {  	[smem:$0x3FAE] =	sst s2  }
0xb: {  	[smem:$0x3FAF] =	sst s3  }
0xc: {  	[smem:$0x3FB0] =	sst s4  }
0xd: {  	[smem:$0x3FB1] =	sst s5  }
0xe: {  	[smem:$0x3FB2] =	sst s6  }
0xf: {  	[smem:$0x3FB3] =	sst s7  }
0x10: {  	[smem:$0x3FB4] =	sst s8  }
0x11: {  	[smem:$0x3FB5] =	sst s9;
	s0 =	simm.s32 @!p0 $0x0  }
0x12: {  	s1 =	sld [smem:$0x3F9B];
	s0 =	simm.s32 @p0 $0x1  }
0x13: {  	[smem:$0x3FB6] =	sst s0;
	s0 =	simm.s32 @!p1 $0x0  }
0x14: {  	s2 =	sld [smem:$0x3F9A];
	s0 =	simm.s32 @p1 $0x1  }
0x15: {  	[smem:$0x3FB7] =	sst s0;
	s0 =	simm.s32 @!p2 $0x0  }
0x16: {  	s3 =	sld [smem:$0x3FDB];
	s0 =	simm.s32 @p2 $0x1  }
0x17: {  	s4 =	simm.s32 $0x1BF5;
	[smem:$0x3FB9] =	sst s0  }
0x18: {  	s0 =	sld [smem:$0x3F9C];
	_ =	swait.ge [sflag:s4], $0x0  }
0x19: {  	s7 =	sld [smem:$0x3F9D]  }
0x1a: {  	s8 =	sadd.s32 $0xFFFFE003, lr  }
0x1b: {  	s9 =	sadd.s32 $0xFFFFFEF7, lr;
	s5 =	simm.s32 $0xFFFFFFFF;
	p2 =	slt.u32 s8, $0xFFFFF086  }
0x1c: {  	p1 =	slt.u32 s9, $0xF7A;
	s5 =	simm.s32 @!p2 $0x0  }
0x1d: {  	s5 =	simm.s32 @p1 $0x1;
	p0 =	seq.s32 s7, s2  }
0x1e: {  	s7 =	smul.u32 @!p0 $0xF7A, s2;
	p2 =	seq.s32 @!p0 s5, $0x0  }
0x1f: {  	s9 =	smul.u32 $0xF7A, s1;
	s8 =	simm.s32 @!p0 $0x1BF5;
	p2 =	por !p2, p0  }
0x20: {  	[sflag:s8] =	ssyncset.s32 @!p0 $0xFFFFF086;
	s6 =	sadd.s32 @!p0 s3, s7;
	s7 =	simm.s32 @!p0 $0x108  }
0x21: {  	s3 =	sadd.s32 s3, s9;
	s6 =	sadd.s32 @!p0 $0x88, s6;
	s7 =	simm.s32 @p2 $0x1082  }
0x22: {  	[simem:s7], [sflag:s8] =	dma.local @!p0 [hbm:s6], $0xF7A  }
0x23: {  	s9 =	sor.u32 $0xD0000000, s2;
	s6 =	simm.s32 $0x108;
	_ =	swait.ge @!p0 [sflag:s8], $0x0  }
0x24: {  	s3 =	sadd.s32 $0x88, s3;
	s6 =	simm.s32 @!p1 $0x1082;
	[sflag:s4] =	ssyncset.s32 $0xFFFFF086  }
0x25: {  	[simem:s6], [sflag:s4] =	dma.local [hbm:s3], $0xF7A  }
0x26: {  	[smem:$0x3F9D] =	sst s1;
	(tag) =	ssettag s2;
	_ =	strace s9  }
0x27: {  	s1 =	sld [smem:$0x3FAD]  }
0x28: {  	s2 =	sld [smem:$0x3FAE]  }
0x29: {  	s4 =	sld [smem:$0x3FB0]  }
0x2a: {  	p0 =	seq.s32 s5, $0x0;
	s5 =	sld [smem:$0x3FB1]  }
0x2b: {  	s6 =	sld [smem:$0x3FB2]  }
0x2c: {  	s7 =	sld [smem:$0x3FB3]  }
0x2d: {  	s3 =	simm.s32 $0x108;
	s8 =	sld [smem:$0x3FB4]  }
0x2e: {  	s3 =	simm.s32 @!p0 $0x1082;
	s9 =	sld [smem:$0x3FB5]  }
0x2f: {  	lr =	sadd.s32 s0, s3;
	s0 =	sld [smem:$0x3FAC]  }
0x30: {  	s3 =	sld [smem:$0x3FAF]  }
0x31: {  	[smem:$0x3FB8] =	sst s10  }
0x32: {  	s10 =	sld [smem:$0x3FB6];
	_ =	sdelay $0x3  }
0x33: {  	p0 =	seq.s32 s10, $0x1;
	s10 =	sld [smem:$0x3FB8];
	_ =	sdelay $0x3  }
0x34: {  	[smem:$0x3FB8] =	sst s10  }
0x35: {  	s10 =	sld [smem:$0x3FB7];
	_ =	sdelay $0x3  }
0x36: {  	p1 =	seq.s32 s10, $0x1;
	s10 =	sld [smem:$0x3FB8];
	_ =	sdelay $0x3  }
0x37: {  	[smem:$0x3FB8] =	sst s10  }
0x38: {  	s10 =	sld [smem:$0x3FB9]  }
0x39: {  	_ = 	snop;
	(pc) =	sbr.ind lr, $3  }
0x3a: {  	_ = 	snop  }
0x3b: {  	_ = 	snop  }
0x3c: {  	p2 =	seq.s32 s10, $0x1;
	s10 =	sld [smem:$0x3FB8]  }
0x3d: {  	_ =	shalt  }
0x3e: {  	_ =	shalt  }
0x3f: {  	_ =	shalt  }
0x40: {  	_ =	shalt  }
0x41: {  	_ =	shalt  }
0x42: {  	_ =	shalt  }
0x43: {  	_ =	shalt  }
0x44: {  	_ =	shalt  }
0x45: {  	_ =	shalt  }
0x46: {  	_ =	shalt  }
0x47: {  	_ =	shalt  }
0x48: {  	_ =	shalt  }
0x49: {  	_ =	shalt  }
0x4a: {  	_ =	shalt  }
0x4b: {  	_ =	shalt  }
0x4c: {  	_ =	shalt  }
0x4d: {  	_ =	shalt  }
0x4e: {  	_ =	shalt  }
0x4f: {  	_ =	shalt  }
0x50: {  	_ =	shalt  }
0x51: {  	_ =	shalt  }
0x52: {  	_ =	shalt  }
0x53: {  	_ =	shalt  }
0x54: {  	_ =	shalt  }
0x55: {  	_ =	shalt  }
0x56: {  	_ =	shalt  }
0x57: {  	_ =	shalt  }
0x58: {  	_ =	shalt  }
0x59: {  	_ =	shalt  }
0x5a: {  	_ =	shalt  }
0x5b: {  	_ =	shalt  }
0x5c: {  	_ =	shalt  }
0x5d: {  	_ =	shalt  }
0x5e: {  	_ =	shalt  }
0x5f: {  	_ =	shalt  }
0x60: {  	_ =	shalt  }
0x61: {  	_ =	shalt  }
0x62: {  	_ =	shalt  }
0x63: {  	_ =	shalt  }
0x64: {  	_ =	shalt  }
0x65: {  	_ =	shalt  }
0x66: {  	_ =	shalt  }
0x67: {  	_ =	shalt  }
0x68: {  	_ =	shalt  }
0x69: {  	_ =	shalt  }
0x6a: {  	_ =	shalt  }
0x6b: {  	_ =	shalt  }
0x6c: {  	_ =	shalt  }
0x6d: {  	_ =	shalt  }
0x6e: {  	_ =	shalt  }
0x6f: {  	_ =	shalt  }
0x70: {  	_ =	shalt  }
0x71: {  	_ =	shalt  }
0x72: {  	_ =	shalt  }
0x73: {  	_ =	shalt  }
0x74: {  	_ =	shalt  }
0x75: {  	_ =	shalt  }
0x76: {  	_ =	shalt  }
0x77: {  	_ =	shalt  }
0x78: {  	_ =	shalt  }
0x79: {  	_ =	shalt  }
0x7a: {  	_ =	shalt  }
0x7b: {  	_ =	shalt  }
0x7c: {  	_ =	shalt  }
0x7d: {  	_ =	shalt  }
0x7e: {  	_ =	shalt  }
0x7f: {  	_ =	shalt  }
0x80: {  	_ =	shalt  }
0x81: {  	_ =	shalt  }
0x82: {  	_ =	shalt  }
0x83: {  	_ =	shalt  }
0x84: {  	_ =	shalt  }
0x85: {  	_ =	shalt  }
0x86: {  	_ =	shalt  }
0x87: {  	_ =	shalt  }
.Lfunc_end0:
.L_simem_size_0:
called_computation_lowered:
.L_overlay_start_0:
0x88: {  	s2 =	sld [smem:$0x3FD9]  }
0x89: {  	s3 =	sld [smem:$0x3FFE];
	_ =	sdelay $0x1  }
0x8a: {  	s1 =	srdreg.scid  }
0x8b: {  	s0 =	sand.u32 $0x1, s1  }
0x8c: {  	s17 =	sshll.u32 s0, $0xA;
	s2 =	sadd.s32 s3, s2  }
0x8d: {  	s2 =	sadd.s32 s2, s17  }
0x8e: {  	[smem:$0x3FC4] =	sst s2  }
0x8f: {  	_ = 	snop  }
0x90: {  	s2 =	sld [smem:$0x3FD0];
	(tm) =	ssettm $0x1  }
0x91: {  	s18 =	sld [smem:$0x3FFB];
	_ =	sdelay $0x3  }
0x92: {  	_ =	strace s18  }
0x93: {  	s3 =	sld [smem:$0x3FFC];
	_ =	sdelay $0x3  }
0x94: {  	_ =	strace s3  }
0x95: {  	s3 =	sld [smem:$0x3FFD];
	_ =	sdelay $0x3  }
0x96: {  	_ =	strace s3  }
0x97: {  	_ =	strace $0x8FFFFFFF  }
0x98: {  	s19 =	sld [smem:$0x3FDB];
	_ =	sdelay $0x1  }
0x99: {  	s4 =	simm.s32 $_scs_section_size  }
0x9a: {  	s5 =	simm.s32 $_size__tile_overlayer_lowered;
	s6 =	simm.s32 $_tile_overlayer_lowered  }
0x9b: {  	s22 =	simm.s32 $0x1BFF;
	s21 =	sshll.u32 s6, $0x1;
	s3 =	sadd.s32 s4, s19  }
0x9c: {  	s7 =	simm.s32 $0x0;
	s20 =	sshll.u32 s5, $0x1;
	s5 =	sadd.s32 s21, s3  }
0x9d: {  	[timem:s7], [sflag:s22] =	dma.local [hbm:s5], s20  }
0x9e: {  	_ =	swait.ge [sflag:s22], s20  }
0x9f: {  	s4 =	ssub.s32 $0x0, s20;
	[sflag:s22] =	ssyncset.done $0x0  }
0xa0: {  	[sflag:s22] =	ssyncadd.s32 s4;
	_ =	sdelay $0x1  }
0xa1: {  	s23 =	simm.s32 $0x1B8B  }
0xa2: {  	_ =	swait.ge [sflag:s23], $0x1  }
0xa3: {  	[sflag:s23] =	ssyncset.done $0x0  }
0xa4: {  	s25 =	simm.s32 $0x1B8E;
	s24 =	sld [smem:$0x3FFE];
	[sflag:s23] =	ssyncadd.s32 $0xFFFFFFFF  }
0xa5: {  	s26 =	simm.s32 $execute0_lowered;
	[smem:$0x3FD2] =	sst s25  }
0xa6: {  	s5 =	sshll.u32 s26, $0x1;
	_ =	strace $0x80000046;
	[dreg:$0x1] =	wrdreg $0xFFFFFFFF  }
0xa7: {  	s28 =	simm.s32 $_size_execute0_lowered;
	s3 =	sadd.s32 s3, s5;
	[dreg:$0x0] =	wrdreg $0x0  }
0xa8: {  	s5 =	sshll.u32 s28, $0x1;
	[dreg:$0x2] =	wrdreg s3  }
0xa9: {  	[dreg:$0x3] =	wrdreg s5  }
0xaa: {  	[dreg:$0x4] =	wrdreg $0xC0  }
0xab: {  	_ =	task [dreg:s7], $0x5FFFF  }
0xac: {  	[dreg:$0x1] =	wrdreg $0xFFFFFFFF  }
0xad: {  	[dreg:$0x0] =	wrdreg $0x60  }
0xae: {  	[dreg:$0x2] =	wrdreg s24  }
0xaf: {  	[dreg:$0x3] =	wrdreg s2  }
0xb0: {  	[dreg:$0x4] =	wrdreg $0x0  }
0xb1: {  	[dreg:$0x5] =	wrdreg $0x9  }
0xb2: {  	_ =	task.clear_ibuf [dreg:s7], $0x6FFFF;
	_ =	strace $0x90000046  }
0xb3: {  	s29 =	simm.s32 $0x9;
	_ =	strace $0x80000048  }
0xb4: {  	_ =	swait.ge [sflag:s29], $0x1  }
0xb5: {  	[sflag:s29] =	ssyncadd.s32 $0xFFFFFFFF  }
0xb6: {  	_ =	strace $0x90000048  }
0xb7: {  	_ =	sfence  }
0xb8: {  	s30 =	sld [smem:$0x0];
	_ =	sdelay $0x2  }
0xb9: {  	s31 =	sshll.u32 s1, $0xD;
	s1 =	sshrl.u32 s1, $0x2  }
0xba: {  	s3 =	sand.u32 $0x4000, s31;
	s1 =	sadd.s32 s1, s30  }
0xbb: {  	s0 =	sor.u32 s3, s0;
	s1 =	sshll.u32 s1, $0x11  }
0xbc: {  	s0 =	sor.u32 s1, s0  }
0xbd: {  	s0 =	sadd.s32 $0x8F2B, s0  }
0xbe: {  	[sflag:s0] =	ssyncadd.remote.s32 $0x1  }
0xbf: {  	_ =	sfence.sel $0xFFFF  }
0xc0: {  	[dreg:$0x0] =	wrdreg $0xFFFFFFFF;
	(pc) =	sbr.abs _section_cstart, $3  }
0xc1: {  	[dreg:$0x1] =	wrdreg $0xFFFFFFFF  }
0xc2: {  	_ =	task.clear_ibuf [dreg:s7], $0x2FFFF;
	_ =	strace $0x9FFFFFFF  }
0xc3: {  	(tm) =	ssettm $0x7FFFFFFF  }
tec
execute0_lowered:
.L_overlay_start_1:
0x0: {  	(tag) =	ssettag $0x1  }
0x1: {  	s0 =	rddreg [dreg:$0x0]  }
0x2: {  	s1 =	rddreg [dreg:$0x1]  }
0x3: {  	s2 =	rddreg [dreg:$0x2]  }
0x4: {  	s3 =	simm.s32 $0x0;
	s13 =	stileid.u32;
	s7 =	srdreg.scid  }
0x5: {  	s28 =	simm.s32 $0x1E0C0;
	s29 =	simm.s32 $0x5;
	s6 =	smul.u32 $0x2800, s13  }
0x6: {  	s30 =	simm.s32 $0x3;
	s31 =	simm.s32 $0x7;
	s10 =	smul.u32 $0x4E000, s13  }
0x7: {  	[smem:$0x7FF] =	sst s3;
	s4 =	sadd.s32 $0xA800, s0;
	s15 =	smul.u32 $0x2700, s13  }
0x8: {  	s5 =	sadd.s32 $0x31A00, s0;
	s7 =	sand.u32 $0x1, s7;
	s26 =	smul.u32 $0x4E00, s13  }
0x9: {  	s11 =	sadd.s32 $0x800, s0;
	s25 =	sadd.s32 $0x31800, s0;
	s20 =	smul.u32 $0x500, s13  }
0xa: {  	s21 =	sadd.s32 $0x4E000, s1;
	p1 =	sne.s32 s13, $0xF;
	p2 =	seq.s32 s13, $0xF  }
0xb: {  	_ =	strace $0x80000047;
	s8 =	ssub.s32 $0x2, s7;
	[dreg:$0x6] =	wrdreg s25  }
0xc: {  	p0 =	seq.s32 s7, $0x1;
	[dreg:$0xc] =	wrdreg s21;
	s6 =	sshrl.u32 s6, $0x3  }
0xd: {  	s12 =	sshrl.u32 s8, $0x1;
	s23 =	sshrl.u32 s10, $0x2;
	s24 =	sadd.s32 s4, s15  }
0xe: {  	s19 =	sadd.s32 s1, s26;
	s22 =	sadd.s32 s5, s15;
	[dreg:$0x5] =	wrdreg s24  }
0xf: {  	s25 =	sadd.s32 s20, s11;
	s20 =	simm.s32 $0x4;
	[dreg:$0xd] =	wrdreg s22  }
0x10: {  	s9 =	sadd.s32 s6, s0;
	s7 =	sadd.s32 s23, s2;
	[dreg:$0xb] =	wrdreg s19  }
0x11: {  	s16 =	ssub.s32 s8, s12;
	s0 =	sadd.s32 $0x58A00, s0;
	[dreg:$0x4] =	wrdreg s7  }
0x12: {  	s8 =	sadd.s32 $0x138000, s2;
	s23 =	sadd.s32 $0x80, s19;
	[dreg:$0xe] =	wrdreg s0  }
0x13: {  	s10 =	sadd.s32 s11, s6;
	s24 =	sadd.s32 $0x4E080, s1;
	[dreg:$0xf] =	wrdreg s23  }
0x14: {  	s19 =	simm.s32 $0x1E240;
	s12 =	sadd.s32 $0x5800, s9;
	[dreg:$0x10] =	wrdreg s24  }
0x15: {  	s1 =	simm.s32 $0x0;
	s14 =	sadd.s32 $0x8, s10;
	[dreg:$0x7] =	wrdreg s12  }
0x16: {  	s17 =	sadd.s32 $0x10, s10;
	s18 =	sadd.s32 $0x18, s10;
	[dreg:$0x8] =	wrdreg s14  }
.Ltmp0:
0x17: {  	s26 =	smax.u32 s16, $0x1;
	[dreg:$0x9] =	wrdreg s17;
	(pc) =	sbr.rel .LBB2_1-.Ltmp0, $4  }
0x18: {  	s0 =	sadd.s32 $0x38, s25;
	s23 =	simm.s32 $0x9;
	[dreg:$0xa] =	wrdreg s18  }
0x19: {  	s25 =	simm.s32 $0x40;
	s7 =	simm.s32 $0x1A0C0;
	[dreg:$0x11] =	wrdreg s26  }
0x1a: {  	s9 =	simm.s32 $0x1E1C0;
	s16 =	simm.s32 $0x1;
	[dreg:$0x12] =	wrdreg s0  }
0x1b: {  	s26 =	simm.s32 $0x160C0;
	s18 =	simm.s32 $0x1C0C0;
	s0 =	simm.s32 $0x8  }
.LBB2_10:
0x1c: {  	s11 =	sshrl.u32 s8, $0x3;
	s12 =	simm.s32 $0x100;
	s13 =	simm.s32 $0x80  }
0x1d: {  	[hbm:s6@s12], [sflag:s17] =	dma.strided [spmem:s11@s13], $0x100, s0, $0x10   }
0x1e: {  	_ =	swait.ge [sflag:s23], $0x100  }
0x1f: {  	[sflag:s23] =	ssyncset.done $0x0  }
0x20: {  	[sflag:s23] =	ssyncadd.s32 $0xFFFFFF00  }
.LBB2_11:
0x21: {  	s1 =	sadd.s32 $0x1, s1;
	s6 =	rddreg [dreg:$0x11]  }
0x22: {  	p3 =	sne.s32 s1, s6  }
.Ltmp1:
0x23: {  	_ = 	snop;
	(pc) =	sbr.rel @!p3 .LBB2_12-.Ltmp1, $1  }
0x24: {  	_ =	sdelay $0x3  }
.LBB2_1:
.Ltmp2:
0x25: {  	(pc) =	sbr.rel @!p0 .LBB2_2-.Ltmp2, $4  }
0x26: {  	_ = 	snop  }
0x27: {  	s6 =	stileid.u32  }
0x28: {  	s24 =	rddreg [dreg:$0x4];
	s22 =	sshll.u32 s6, $0x6  }
0x29: {  	s15 =	sshrl.u32 s24, $0x3;
	s6 =	sshrl.u32 @!p1 s8, $0x3;
	s17 =	sor.u32 $0x1C09, s22  }
0x2a: {  	s17 =	sor.u32 $0x1C09, s22;
	s11 =	rddreg [dreg:$0xd]  }
0x2b: {  	[spmem:s15], [sflag:s17] =	dma.local [hbm:s11], $0x2700  }
0x2c: {  	_ =	swait.ge [sflag:s23], $0x2700  }
0x2d: {  	[sflag:s23] =	ssyncset.done $0x0  }
0x2e: {  	s11 =	rddreg [dreg:$0xe];
	[sflag:s23] =	ssyncadd.s32 $0xFFFFD900  }
0x2f: {  	[spmem:s6], [sflag:s17] =	dma.local @!p1 [hbm:s11], $0x100  }
0x30: {  	s6 =	simm.s32 @!p1 $0x9  }
0x31: {  	_ =	swait.ge @!p1 [sflag:s6], $0x100  }
0x32: {  	s12 =	simm.s32 $0x138C0;
	[sflag:s6] =	ssyncset.done @!p1 $0x0  }
0x33: {  	s21 =	rddreg [dreg:$0x7];
	[sflag:s6] =	ssyncadd.s32 @!p1 $0xFFFFFF00;
	s6 =	simm.s32 $0x0  }
0x34: {  	[tilespmem:s12], [sflag:$0x9] =	stream.linear.gather [hbm4b:s21+s6], $0x2800, $0x38;
	[tilespmem:$0x1E2C0] =	vst v63  }
0x35: {  	_ =	swait.ge [sflag:s23], $0x2800  }
0x36: {  	[sflag:s23] =	ssyncset.done $0x0  }
0x37: {  	[sflag:s23] =	ssyncadd.s32 $0xFFFFD800  }
0x38: {  	[bflag:$0x0] =	sbarrier.arrive $0xFFFF  }
0x39: {  	[tilespmem:s26], [sflag:$0x1] =	stream.indirect.gather [hbm4b:s5+s25], $0x80, s12, s25, $0xb8;
	[tilespmem:$0x1E2C0] =	vst v63  }
0x3a: {  	_ = 	snop  }
0x3b: {  	[tilespmem:s28], [sflag:$0x5] =	stream.linear.gather [hbm4b:s10+s6], $0x40, $0x38;
	[tilespmem:$0x1E2C0] =	vst v63  }
0x3c: {  	s22 =	simm.s32 $0x13900;
	s24 =	simm.s32 $0x180C0  }
0x3d: {  	[tilespmem:s24], [sflag:$0x2] =	stream.indirect.gather [hbm4b:s5+s25], $0x80, s22, s25, $0xb8;
	[tilespmem:$0x1E2C0] =	vst v63  }
0x3e: {  	s13 =	simm.s32 $0x1E140;
	s12 =	rddreg [dreg:$0x8]  }
0x3f: {  	[tilespmem:s13], [sflag:$0x6] =	stream.linear.gather [hbm4b:s12+s6], $0x40, $0x38;
	[tilespmem:$0x1E2C0] =	vst v63  }
0x40: {  	s14 =	simm.s32 $0x13940  }
0x41: {  	[tilespmem:s7], [sflag:$0x3] =	stream.indirect.gather [hbm4b:s5+s25], $0x80, s14, s25, $0xb8;
	[tilespmem:$0x1E2C0] =	vst v63  }
0x42: {  	s21 =	rddreg [dreg:$0x9]  }
0x43: {  	[tilespmem:s9], [sflag:$0x7] =	stream.linear.gather [hbm4b:s21+s6], $0x40, $0x38;
	[tilespmem:$0x1E2C0] =	vst v63  }
0x44: {  	s22 =	simm.s32 $0x13980;
	s24 =	rddreg [dreg:$0xa]  }
0x45: {  	[tilespmem:s18], [sflag:$0x4] =	stream.indirect.gather [hbm4b:s5+s25], $0x80, s22, s25, $0xb8;
	[tilespmem:$0x1E2C0] =	vst v63  }
0x46: {  	s22 =	rddreg [dreg:$0x12]  }
0x47: {  	[tilespmem:s19], [sflag:$0x8] =	stream.linear.gather [hbm4b:s24+s6], $0x40, $0x38;
	[tilespmem:$0x1E2C0] =	vst v63  }
.LBB2_7:
0x48: {  	_ =	swait.ge [sflag:s16], $0x2000  }
0x49: {  	[sflag:s16] =	ssyncset.done $0x0  }
0x4a: {  	[sflag:s16] =	ssyncadd.s32 $0xFFFFE000  }
0x4b: {  	_ =	swait.ge [sflag:s29], $0x40  }
0x4c: {  	[sflag:s29] =	ssyncset.done $0x0  }
0x4d: {  	[sflag:s29] =	ssyncadd.s32 $0xFFFFFFC0  }
0x4e: {  	[spmem:s2] =	stream.indirect.scatter.add.f32 [tilespmem:s26], [sflag:$0x9], $0x80, s28, s25, $0xb8;
	[tilespmem:$0x1E2C0] =	vst v63  }
0x4f: {  	_ =	swait.ge [sflag:s23], $0x2000  }
0x50: {  	p3 =	seq.s32 s6, $0x9C00;
	[sflag:s23] =	ssyncset.done $0x0  }
0x51: {  	s11 =	simm.s32 @p3 $0x2;
	[sflag:s23] =	ssyncadd.s32 $0xFFFFE000  }
0x52: {  	_ =	swait.ge @p3 [sflag:s11], $0x2000  }
0x53: {  	[sflag:s11] =	ssyncset.done @p3 $0x0  }
0x54: {  	[sflag:s11] =	ssyncadd.s32 @p3 $0xFFFFE000;
	s11 =	simm.s32 @p3 $0x6  }
0x55: {  	_ =	swait.ge @p3 [sflag:s11], $0x40  }
0x56: {  	s12 =	simm.s32 @p3 $0x1E140;
	[sflag:s11] =	ssyncset.done @p3 $0x0  }
0x57: {  	s13 =	simm.s32 @p3 $0x180C0;
	[sflag:s11] =	ssyncadd.s32 @p3 $0xFFFFFFC0;
	s11 =	simm.s32 @p3 $0x40  }
0x58: {  	[spmem:s2] =	stream.indirect.scatter.add.f32 @p3 [tilespmem:s13], [sflag:$0x9], $0x80, s12, s11, $0xb8;
	[tilespmem:$0x1E2C0] =	vst v63  }
0x59: {  	s11 =	simm.s32 @p3 $0x9  }
0x5a: {  	_ =	swait.ge @p3 [sflag:s11], $0x2000  }
0x5b: {  	[sflag:s11] =	ssyncset.done @p3 $0x0  }
0x5c: {  	[sflag:s11] =	ssyncadd.s32 @p3 $0xFFFFE000;
	s11 =	sshra.s32 @!p3 s6, $0x2  }
0x5d: {  	s14 =	simm.s32 @!p3 $0x160C0;
	s13 =	simm.s32 @!p3 $0x40;
	s12 =	sadd.s32 @!p3 $0x139C0, s11  }
0x5e: {  	[tilespmem:s14], [sflag:$0x1] =	stream.indirect.gather @!p3 [hbm4b:s5+s13], $0x80, s12, s13, $0xb8;
	[tilespmem:$0x1E2C0] =	vst v63  }
0x5f: {  	s21 =	simm.s32 @!p3 $0x1E0C0;
	s12 =	sadd.s32 @!p3 $0xFFFFFFE8, s22;
	s14 =	simm.s32 @!p3 $0x0  }
0x60: {  	[tilespmem:s21], [sflag:$0x5] =	stream.linear.gather @!p3 [hbm4b:s12+s14], $0x40, $0x38;
	[tilespmem:$0x1E2C0] =	vst v63  }
0x61: {  	s12 =	simm.s32 @!p3 $0x2  }
0x62: {  	_ =	swait.ge @!p3 [sflag:s12], $0x2000  }
0x63: {  	[sflag:s12] =	ssyncset.done @!p3 $0x0  }
0x64: {  	[sflag:s12] =	ssyncadd.s32 @!p3 $0xFFFFE000;
	s12 =	simm.s32 @!p3 $0x6  }
0x65: {  	_ =	swait.ge @!p3 [sflag:s12], $0x40  }
0x66: {  	s24 =	simm.s32 @!p3 $0x9;
	[sflag:s12] =	ssyncset.done @!p3 $0x0  }
0x67: {  	s21 =	simm.s32 @!p3 $0x180C0;
	[sflag:s12] =	ssyncadd.s32 @!p3 $0xFFFFFFC0;
	s12 =	simm.s32 @!p3 $0x1E140  }
0x68: {  	[spmem:s2] =	stream.indirect.scatter.add.f32 @!p3 [tilespmem:s21], [sflag:$0x9], $0x80, s12, s13, $0xb8;
	[tilespmem:$0x1E2C0] =	vst v63  }
0x69: {  	_ =	swait.ge @!p3 [sflag:s24], $0x2000  }
0x6a: {  	[sflag:s24] =	ssyncset.done @!p3 $0x0  }
0x6b: {  	s11 =	sadd.s32 @!p3 $0x13A00, s11;
	[sflag:s24] =	ssyncadd.s32 @!p3 $0xFFFFE000  }
0x6c: {  	[tilespmem:s21], [sflag:$0x2] =	stream.indirect.gather @!p3 [hbm4b:s5+s13], $0x80, s11, s13, $0xb8;
	[tilespmem:$0x1E2C0] =	vst v63  }
0x6d: {  	s11 =	sadd.s32 @!p3 $0xFFFFFFF0, s22  }
0x6e: {  	[tilespmem:s12], [sflag:$0x6] =	stream.linear.gather @!p3 [hbm4b:s11+s14], $0x40, $0x38;
	[tilespmem:$0x1E2C0] =	vst v63  }
0x6f: {  	_ =	swait.ge [sflag:s30], $0x2000  }
0x70: {  	[sflag:s30] =	ssyncset.done $0x0  }
0x71: {  	[sflag:s30] =	ssyncadd.s32 $0xFFFFE000  }
0x72: {  	_ =	swait.ge [sflag:s31], $0x40  }
0x73: {  	[sflag:s31] =	ssyncset.done $0x0  }
.Ltmp3:
0x74: {  	[sflag:s31] =	ssyncadd.s32 $0xFFFFFFC0;
	(pc) =	sbr.rel @p3 .LBB2_9-.Ltmp3, $4  }
0x75: {  	[spmem:s2] =	stream.indirect.scatter.add.f32 [tilespmem:s7], [sflag:$0x9], $0x80, s9, s25, $0xb8;
	[tilespmem:$0x1E2C0] =	vst v63  }
0x76: {  	_ =	swait.ge [sflag:s23], $0x2000  }
0x77: {  	[sflag:s23] =	ssyncset.done $0x0  }
0x78: {  	[sflag:s23] =	ssyncadd.s32 $0xFFFFE000  }
0x79: {  	s11 =	sshra.s32 s6, $0x2  }
0x7a: {  	s12 =	sadd.s32 $0x13A40, s11  }
0x7b: {  	[tilespmem:s7], [sflag:$0x3] =	stream.indirect.gather [hbm4b:s5+s25], $0x80, s12, s25, $0xb8;
	[tilespmem:$0x1E2C0] =	vst v63  }
0x7c: {  	s24 =	sadd.s32 $0xFFFFFFF8, s22  }
0x7d: {  	[tilespmem:s9], [sflag:$0x7] =	stream.linear.gather [hbm4b:s24+s3], $0x40, $0x38;
	[tilespmem:$0x1E2C0] =	vst v63  }
0x7e: {  	_ =	swait.ge [sflag:s20], $0x2000  }
0x7f: {  	[sflag:s20] =	ssyncset.done $0x0  }
0x80: {  	[sflag:s20] =	ssyncadd.s32 $0xFFFFE000  }
0x81: {  	_ =	swait.ge [sflag:s0], $0x40  }
0x82: {  	[sflag:s0] =	ssyncset.done $0x0  }
0x83: {  	[sflag:s0] =	ssyncadd.s32 $0xFFFFFFC0  }
0x84: {  	[spmem:s2] =	stream.indirect.scatter.add.f32 [tilespmem:s18], [sflag:$0x9], $0x80, s19, s25, $0xb8;
	[tilespmem:$0x1E2C0] =	vst v63  }
0x85: {  	_ =	swait.ge [sflag:s23], $0x2000  }
0x86: {  	[sflag:s23] =	ssyncset.done $0x0  }
.Ltmp4:
0x87: {  	s11 =	sadd.s32 $0x13A80, s11;
	[sflag:s23] =	ssyncadd.s32 $0xFFFFE000;
	(pc) =	sbr.rel .LBB2_7-.Ltmp4, $4  }
0x88: {  	[tilespmem:s18], [sflag:$0x4] =	stream.indirect.gather [hbm4b:s5+s25], $0x80, s11, s25, $0xb8;
	[tilespmem:$0x1E2C0] =	vst v63  }
0x89: {  	_ = 	snop  }
0x8a: {  	[tilespmem:s19], [sflag:$0x8] =	stream.linear.gather [hbm4b:s22+s3], $0x40, $0x38;
	[tilespmem:$0x1E2C0] =	vst v63  }
0x8b: {  	s6 =	sadd.s32 $0x400, s6;
	s22 =	sadd.s32 $0x20, s22  }
.LBB2_2:
0x8c: {  	s11 =	rddreg [dreg:$0x5]  }
0x8d: {  	[spmem:s15], [sflag:s17] =	dma.local [hbm:s11], $0x2700  }
0x8e: {  	_ =	swait.ge [sflag:s23], $0x2700  }
0x8f: {  	[sflag:s23] =	ssyncset.done $0x0  }
0x90: {  	s11 =	rddreg [dreg:$0x6];
	[sflag:s23] =	ssyncadd.s32 $0xFFFFD900  }
0x91: {  	[spmem:s6], [sflag:s17] =	dma.local @!p1 [hbm:s11], $0x100  }
0x92: {  	s6 =	simm.s32 @!p1 $0x9  }
0x93: {  	_ =	swait.ge @!p1 [sflag:s6], $0x100  }
0x94: {  	s12 =	simm.s32 $0x138C0;
	[sflag:s6] =	ssyncset.done @!p1 $0x0  }
0x95: {  	s21 =	rddreg [dreg:$0x7];
	[sflag:s6] =	ssyncadd.s32 @!p1 $0xFFFFFF00;
	s6 =	simm.s32 $0x0  }
0x96: {  	[tilespmem:s12], [sflag:$0x9] =	stream.linear.gather [hbm4b:s21+s6], $0x2800, $0x38;
	[tilespmem:$0x1E2C0] =	vst v63  }
0x97: {  	_ =	swait.ge [sflag:s23], $0x2800  }
0x98: {  	[sflag:s23] =	ssyncset.done $0x0  }
0x99: {  	[sflag:s23] =	ssyncadd.s32 $0xFFFFD800  }
0x9a: {  	[bflag:$0x0] =	sbarrier.arrive $0xFFFF  }
0x9b: {  	[tilespmem:s26], [sflag:$0x1] =	stream.indirect.gather [hbm4b:s4+s25], $0x80, s12, s25, $0xb8;
	[tilespmem:$0x1E2C0] =	vst v63  }
0x9c: {  	_ = 	snop  }
0x9d: {  	[tilespmem:s28], [sflag:$0x5] =	stream.linear.gather [hbm4b:s10+s6], $0x40, $0x38;
	[tilespmem:$0x1E2C0] =	vst v63  }
0x9e: {  	s22 =	simm.s32 $0x13900;
	s24 =	simm.s32 $0x180C0  }
0x9f: {  	[tilespmem:s24], [sflag:$0x2] =	stream.indirect.gather [hbm4b:s4+s25], $0x80, s22, s25, $0xb8;
	[tilespmem:$0x1E2C0] =	vst v63  }
0xa0: {  	s13 =	simm.s32 $0x1E140;
	s12 =	rddreg [dreg:$0x8]  }
0xa1: {  	[tilespmem:s13], [sflag:$0x6] =	stream.linear.gather [hbm4b:s12+s6], $0x40, $0x38;
	[tilespmem:$0x1E2C0] =	vst v63  }
0xa2: {  	s14 =	simm.s32 $0x13940  }
0xa3: {  	[tilespmem:s7], [sflag:$0x3] =	stream.indirect.gather [hbm4b:s4+s25], $0x80, s14, s25, $0xb8;
	[tilespmem:$0x1E2C0] =	vst v63  }
0xa4: {  	s21 =	rddreg [dreg:$0x9]  }
0xa5: {  	[tilespmem:s9], [sflag:$0x7] =	stream.linear.gather [hbm4b:s21+s6], $0x40, $0x38;
	[tilespmem:$0x1E2C0] =	vst v63  }
0xa6: {  	s22 =	simm.s32 $0x13980;
	s24 =	rddreg [dreg:$0xa]  }
0xa7: {  	[tilespmem:s18], [sflag:$0x4] =	stream.indirect.gather [hbm4b:s4+s25], $0x80, s22, s25, $0xb8;
	[tilespmem:$0x1E2C0] =	vst v63  }
0xa8: {  	s22 =	rddreg [dreg:$0x12]  }
0xa9: {  	[tilespmem:s19], [sflag:$0x8] =	stream.linear.gather [hbm4b:s24+s6], $0x40, $0x38;
	[tilespmem:$0x1E2C0] =	vst v63  }
.LBB2_3:
0xaa: {  	_ =	swait.ge [sflag:s16], $0x2000  }
0xab: {  	[sflag:s16] =	ssyncset.done $0x0  }
0xac: {  	[sflag:s16] =	ssyncadd.s32 $0xFFFFE000  }
0xad: {  	_ =	swait.ge [sflag:s29], $0x40  }
0xae: {  	[sflag:s29] =	ssyncset.done $0x0  }
0xaf: {  	[sflag:s29] =	ssyncadd.s32 $0xFFFFFFC0  }
0xb0: {  	[spmem:s2] =	stream.indirect.scatter.add.f32 [tilespmem:s26], [sflag:$0x9], $0x80, s28, s25, $0xb8;
	[tilespmem:$0x1E2C0] =	vst v63  }
0xb1: {  	_ =	swait.ge [sflag:s23], $0x2000  }
0xb2: {  	p3 =	seq.s32 s6, $0x9C00;
	[sflag:s23] =	ssyncset.done $0x0  }
0xb3: {  	s12 =	simm.s32 @p3 $0x2;
	[sflag:s23] =	ssyncadd.s32 $0xFFFFE000  }
0xb4: {  	_ =	swait.ge @p3 [sflag:s12], $0x2000  }
0xb5: {  	[sflag:s12] =	ssyncset.done @p3 $0x0  }
0xb6: {  	[sflag:s12] =	ssyncadd.s32 @p3 $0xFFFFE000;
	s12 =	simm.s32 @p3 $0x6  }
0xb7: {  	_ =	swait.ge @p3 [sflag:s12], $0x40  }
0xb8: {  	s13 =	simm.s32 @p3 $0x1E140;
	[sflag:s12] =	ssyncset.done @p3 $0x0  }
0xb9: {  	s14 =	simm.s32 @p3 $0x180C0;
	[sflag:s12] =	ssyncadd.s32 @p3 $0xFFFFFFC0;
	s12 =	simm.s32 @p3 $0x40  }
0xba: {  	[spmem:s2] =	stream.indirect.scatter.add.f32 @p3 [tilespmem:s14], [sflag:$0x9], $0x80, s13, s12, $0xb8;
	[tilespmem:$0x1E2C0] =	vst v63  }
0xbb: {  	s12 =	simm.s32 @p3 $0x9  }
0xbc: {  	_ =	swait.ge @p3 [sflag:s12], $0x2000  }
0xbd: {  	[sflag:s12] =	ssyncset.done @p3 $0x0  }
0xbe: {  	[sflag:s12] =	ssyncadd.s32 @p3 $0xFFFFE000;
	s12 =	sshra.s32 @!p3 s6, $0x2  }
0xbf: {  	s24 =	simm.s32 @!p3 $0x160C0;
	s14 =	simm.s32 @!p3 $0x40;
	s13 =	sadd.s32 @!p3 $0x139C0, s12  }
0xc0: {  	[tilespmem:s24], [sflag:$0x1] =	stream.indirect.gather @!p3 [hbm4b:s4+s14], $0x80, s13, s14, $0xb8;
	[tilespmem:$0x1E2C0] =	vst v63  }
0xc1: {  	s21 =	simm.s32 @!p3 $0x1E0C0;
	s13 =	sadd.s32 @!p3 $0xFFFFFFE8, s22;
	s24 =	simm.s32 @!p3 $0x0  }
0xc2: {  	[tilespmem:s21], [sflag:$0x5] =	stream.linear.gather @!p3 [hbm4b:s13+s24], $0x40, $0x38;
	[tilespmem:$0x1E2C0] =	vst v63  }
0xc3: {  	s13 =	simm.s32 @!p3 $0x2  }
0xc4: {  	_ =	swait.ge @!p3 [sflag:s13], $0x2000  }
0xc5: {  	[sflag:s13] =	ssyncset.done @!p3 $0x0  }
0xc6: {  	[sflag:s13] =	ssyncadd.s32 @!p3 $0xFFFFE000;
	s13 =	simm.s32 @!p3 $0x6  }
0xc7: {  	_ =	swait.ge @!p3 [sflag:s13], $0x40  }
0xc8: {  	s11 =	simm.s32 @!p3 $0x9;
	[sflag:s13] =	ssyncset.done @!p3 $0x0  }
0xc9: {  	s21 =	simm.s32 @!p3 $0x180C0;
	[sflag:s13] =	ssyncadd.s32 @!p3 $0xFFFFFFC0;
	s13 =	simm.s32 @!p3 $0x1E140  }
0xca: {  	[spmem:s2] =	stream.indirect.scatter.add.f32 @!p3 [tilespmem:s21], [sflag:$0x9], $0x80, s13, s14, $0xb8;
	[tilespmem:$0x1E2C0] =	vst v63  }
0xcb: {  	_ =	swait.ge @!p3 [sflag:s11], $0x2000  }
0xcc: {  	[sflag:s11] =	ssyncset.done @!p3 $0x0  }
0xcd: {  	[sflag:s11] =	ssyncadd.s32 @!p3 $0xFFFFE000;
	s11 =	sadd.s32 @!p3 $0x13A00, s12  }
0xce: {  	[tilespmem:s21], [sflag:$0x2] =	stream.indirect.gather @!p3 [hbm4b:s4+s14], $0x80, s11, s14, $0xb8;
	[tilespmem:$0x1E2C0] =	vst v63  }
0xcf: {  	s11 =	sadd.s32 @!p3 $0xFFFFFFF0, s22  }
0xd0: {  	[tilespmem:s13], [sflag:$0x6] =	stream.linear.gather @!p3 [hbm4b:s11+s24], $0x40, $0x38;
	[tilespmem:$0x1E2C0] =	vst v63  }
0xd1: {  	_ =	swait.ge [sflag:s30], $0x2000  }
0xd2: {  	[sflag:s30] =	ssyncset.done $0x0  }
0xd3: {  	[sflag:s30] =	ssyncadd.s32 $0xFFFFE000  }
0xd4: {  	_ =	swait.ge [sflag:s31], $0x40  }
0xd5: {  	[sflag:s31] =	ssyncset.done $0x0  }
.Ltmp5:
0xd6: {  	[sflag:s31] =	ssyncadd.s32 $0xFFFFFFC0;
	(pc) =	sbr.rel @p3 .LBB2_5-.Ltmp5, $4  }
0xd7: {  	[spmem:s2] =	stream.indirect.scatter.add.f32 [tilespmem:s7], [sflag:$0x9], $0x80, s9, s25, $0xb8;
	[tilespmem:$0x1E2C0] =	vst v63  }
0xd8: {  	_ =	swait.ge [sflag:s23], $0x2000  }
0xd9: {  	[sflag:s23] =	ssyncset.done $0x0  }
0xda: {  	[sflag:s23] =	ssyncadd.s32 $0xFFFFE000  }
0xdb: {  	s11 =	sshra.s32 s6, $0x2  }
0xdc: {  	s12 =	sadd.s32 $0x13A40, s11  }
0xdd: {  	[tilespmem:s7], [sflag:$0x3] =	stream.indirect.gather [hbm4b:s4+s25], $0x80, s12, s25, $0xb8;
	[tilespmem:$0x1E2C0] =	vst v63  }
0xde: {  	s24 =	sadd.s32 $0xFFFFFFF8, s22  }
0xdf: {  	[tilespmem:s9], [sflag:$0x7] =	stream.linear.gather [hbm4b:s24+s3], $0x40, $0x38;
	[tilespmem:$0x1E2C0] =	vst v63  }
0xe0: {  	_ =	swait.ge [sflag:s20], $0x2000  }
0xe1: {  	[sflag:s20] =	ssyncset.done $0x0  }
0xe2: {  	[sflag:s20] =	ssyncadd.s32 $0xFFFFE000  }
0xe3: {  	_ =	swait.ge [sflag:s0], $0x40  }
0xe4: {  	[sflag:s0] =	ssyncset.done $0x0  }
0xe5: {  	[sflag:s0] =	ssyncadd.s32 $0xFFFFFFC0  }
0xe6: {  	[spmem:s2] =	stream.indirect.scatter.add.f32 [tilespmem:s18], [sflag:$0x9], $0x80, s19, s25, $0xb8;
	[tilespmem:$0x1E2C0] =	vst v63  }
0xe7: {  	_ =	swait.ge [sflag:s23], $0x2000  }
0xe8: {  	[sflag:s23] =	ssyncset.done $0x0  }
.Ltmp6:
0xe9: {  	s11 =	sadd.s32 $0x13A80, s11;
	[sflag:s23] =	ssyncadd.s32 $0xFFFFE000;
	(pc) =	sbr.rel .LBB2_3-.Ltmp6, $4  }
0xea: {  	[tilespmem:s18], [sflag:$0x4] =	stream.indirect.gather [hbm4b:s4+s25], $0x80, s11, s25, $0xb8;
	[tilespmem:$0x1E2C0] =	vst v63  }
0xeb: {  	_ = 	snop  }
0xec: {  	[tilespmem:s19], [sflag:$0x8] =	stream.linear.gather [hbm4b:s22+s3], $0x40, $0x38;
	[tilespmem:$0x1E2C0] =	vst v63  }
0xed: {  	s6 =	sadd.s32 $0x400, s6;
	s22 =	sadd.s32 $0x20, s22  }
.LBB2_9:
0xee: {  	_ =	swait.ge [sflag:s20], $0x2000  }
0xef: {  	[sflag:s20] =	ssyncset.done $0x0  }
0xf0: {  	[sflag:s20] =	ssyncadd.s32 $0xFFFFE000  }
0xf1: {  	_ =	swait.ge [sflag:s0], $0x40  }
0xf2: {  	[sflag:s0] =	ssyncset.done $0x0  }
0xf3: {  	[sflag:s0] =	ssyncadd.s32 $0xFFFFFFC0  }
0xf4: {  	[spmem:s2] =	stream.indirect.scatter.add.f32 [tilespmem:s18], [sflag:$0x9], $0x80, s19, s25, $0xb8;
	[tilespmem:$0x1E2C0] =	vst v63  }
0xf5: {  	_ =	swait.ge [sflag:s23], $0x2000  }
0xf6: {  	[sflag:s23] =	ssyncset.done $0x0  }
0xf7: {  	[sflag:s23] =	ssyncadd.s32 $0xFFFFE000  }
0xf8: {  	[bflag:$0x0] =	sbarrier.arrive $0xFFFF  }
0xf9: {  	s11 =	simm.s32 $0x100;
	s12 =	simm.s32 $0x80;
	s6 =	rddreg [dreg:$0xf]  }
0xfa: {  	[hbm:s6@s11], [sflag:s17] =	dma.strided [spmem:s15@s12], $0x2700, s0, $0x10   }
.Ltmp7:
0xfb: {  	_ = 	snop;
	(pc) =	sbr.rel @p1 .LBB2_11-.Ltmp7, $4  }
.Ltmp8:
0xfc: {  	_ = 	snop;
	(pc) =	sbr.rel @!p1 .LBB2_10-.Ltmp8, $4  }
0xfd: {  	_ =	swait.ge [sflag:s23], $0x2700  }
0xfe: {  	[sflag:s23] =	ssyncset.done $0x0  }
0xff: {  	s6 =	rddreg [dreg:$0x10];
	[sflag:s23] =	ssyncadd.s32 $0xFFFFD900  }
0x100: {  	_ = 	snop  }
.LBB2_5:
0x101: {  	_ =	swait.ge [sflag:s20], $0x2000  }
0x102: {  	[sflag:s20] =	ssyncset.done $0x0  }
0x103: {  	[sflag:s20] =	ssyncadd.s32 $0xFFFFE000  }
0x104: {  	_ =	swait.ge [sflag:s0], $0x40  }
0x105: {  	[sflag:s0] =	ssyncset.done $0x0  }
0x106: {  	[sflag:s0] =	ssyncadd.s32 $0xFFFFFFC0  }
0x107: {  	[spmem:s2] =	stream.indirect.scatter.add.f32 [tilespmem:s18], [sflag:$0x9], $0x80, s19, s25, $0xb8;
	[tilespmem:$0x1E2C0] =	vst v63  }
0x108: {  	_ =	swait.ge [sflag:s23], $0x2000  }
0x109: {  	[sflag:s23] =	ssyncset.done $0x0  }
0x10a: {  	[sflag:s23] =	ssyncadd.s32 $0xFFFFE000  }
0x10b: {  	[bflag:$0x0] =	sbarrier.arrive $0xFFFF  }
0x10c: {  	s11 =	simm.s32 $0x100;
	s12 =	simm.s32 $0x80;
	s6 =	rddreg [dreg:$0xb]  }
0x10d: {  	[hbm:s6@s11], [sflag:s17] =	dma.strided [spmem:s15@s12], $0x2700, s0, $0x10   }
.Ltmp9:
0x10e: {  	_ = 	snop;
	(pc) =	sbr.rel @p2 .LBB2_10-.Ltmp9, $4  }
.Ltmp10:
0x10f: {  	_ = 	snop;
	(pc) =	sbr.rel @!p2 .LBB2_11-.Ltmp10, $4  }
0x110: {  	_ =	swait.ge [sflag:s23], $0x2700  }
0x111: {  	[sflag:s23] =	ssyncset.done $0x0  }
0x112: {  	s6 =	rddreg [dreg:$0xc];
	[sflag:s23] =	ssyncadd.s32 $0xFFFFD900  }
0x113: {  	_ = 	snop  }
.LBB2_12:
0x114: {  	_ =	sfence.sel $0x180000  }
0x115: {  	[bflag:$0x0] =	sbarrier.arrive $0xFFFF  }
0x116: {  	_ =	strace $0x90000047  }
0x117: {  	s0 =	stileid.u32;
	[bflag:$0x2] =	sbarrier.arrive $0xFFFF  }
0x118: {  	p0 =	sne.s32 s0, $0x0;
	s0 =	rddreg [dreg:$0x3]  }
0x119: {  	s0 =	sadd.s32 @!p0 $0x100000, s0  }
0x11a: {  	[sflag:s0] =	ssyncadd.tile.s32 @!p0 $0x1;
	_ =	shalt  }
.Lfunc_end2:
_tile_overlayer_lowered:
.L_overlay_start_2:
0x11b: {  	(tag) =	ssettag $0x2  }
0x11c: {  	s0 =	rddreg [dreg:$0x0];
	s2 =	stileid.u32  }
0x11d: {  	s1 =	rddreg [dreg:$0x1];
	p0 =	sne.s32 s2, $0x0  }
0x11e: {  	s3 =	rddreg [dreg:$0x2];
	[bflag:$0x3] =	sbarrier.arrive $0xFFFF;
	s2 =	simm.s32 @!p0 $0x1C09  }
0x11f: {  	[timem:s3], [sflag:s2] =	dma.local @!p0 [hbm:s0], s1  }
0x120: {  	s0 =	simm.s32 @!p0 $0x9  }
0x121: {  	_ =	swait.ge @!p0 [sflag:s0], s1  }
0x122: {  	s1 =	ssub.s32 @!p0 $0x0, s1;
	[sflag:s0] =	ssyncset.done @!p0 $0x0  }
0x123: {  	[sflag:s0] =	ssyncadd.s32 @!p0 s1  }
0x124: {  	[bflag:$0x3] =	sbarrier.arrive $0xFFFF  }
0x125: {  	_ =	shalt  }

</sc_bundles>
